<compile_context>
chip_gen: v7x
topology: tpu7x:2x2x1
jax: 0.10.2.dev20260603
libtpu: 0.0.44.dev20260713+nightly
codegen_flags: <defaults>
</compile_context>

<pallas_src>
import functools

import jax
import jax.numpy as jnp
from jax import lax
from jax.experimental import pallas as pl
from jax.experimental.pallas import tpu as pltpu
from jax.experimental.pallas import tpu_sc as plsc

MAX_STEPS_K = 32
NBINS = MAX_STEPS_K + 1
NCOMBO = 4 * NBINS
LANES = 16
KROWS = 17
KOFF = KROWS * 128
HROWS = 2 * KROWS
HIST_WORDS = HROWS * 128
_UNROLL = 4


def _sc_hist_kernel(chunk, tt_hbm, rs_hbm, hs_hbm, out_hbm,
                    tt_v, rs_v, hs_v, hist_v, shared_v, rowidx_v, sem, sem2):
  cid = lax.axis_index("c")
  sid = lax.axis_index("s")
  wid = sid * 2 + cid
  base = wid * chunk
  half = chunk // 2

  cps_a = [pltpu.async_copy(src.at[pl.ds(base, half)], dst.at[pl.ds(0, half)],
                            sem)
           for src, dst in ((tt_hbm, tt_v), (rs_hbm, rs_v), (hs_hbm, hs_v))]
  cps_b = [pltpu.async_copy(src.at[pl.ds(base + half, half)],
                            dst.at[pl.ds(half, half)], sem2)
           for src, dst in ((tt_hbm, tt_v), (rs_hbm, rs_v), (hs_hbm, hs_v))]

  lane = lax.iota(jnp.int32, LANES)
  zeros16 = jnp.zeros((LANES,), jnp.float32)
  ones16 = jnp.ones((LANES,), jnp.float32)

  rowidx_v[pl.ds(0, LANES)] = lane
  rowidx_v[pl.ds(LANES, LANES)] = lane + LANES
  plsc.store_scatter(rowidx_v, [lane + 2 * LANES], lane + 2 * LANES,
                     mask=lane + 2 * LANES < HROWS)

  def zero_body(r, _):
    for j in range(8):
      hist_v[r, pl.ds(j * LANES, LANES)] = zeros16
    return _

  lax.fori_loop(0, HROWS, zero_body, None)

  cbase = lane

  def scatter_half(lo):
    @plsc.parallel_loop(lo // LANES, (lo + half) // LANES, 1, unroll=_UNROLL)
    def _(i):
      b = i * LANES
      tt = tt_v[pl.ds(b, LANES)]
      rs = rs_v[pl.ds(b, LANES)]
      hs = hs_v[pl.ds(b, LANES)]
      c = tt * (NBINS * LANES) + cbase
      f_t = c + rs * LANES
      f_p = c + hs * LANES + KOFF
      plsc.addupdate_scatter(
          hist_v, [lax.shift_right_logical(f_t, 7), lax.bitwise_and(f_t, 127)],
          ones16)
      plsc.addupdate_scatter(
          hist_v, [lax.shift_right_logical(f_p, 7), lax.bitwise_and(f_p, 127)],
          ones16)

  for cp in cps_a:
    cp.wait()
  scatter_half(0)
  for cp in cps_b:
    cp.wait()
  scatter_half(half)

  @pl.when(sid == 0)
  def _():
    pltpu.sync_copy(hist_v, shared_v)

  plsc.subcore_barrier()

  @pl.when(sid != 0)
  def _():
    pltpu.async_copy(hist_v, shared_v.at[rowidx_v], sem, add=True).wait()

  plsc.subcore_barrier()

  @pl.when(sid == 0)
  def _():
    pltpu.sync_copy(shared_v, out_hbm.at[cid])


def _tc_kl_kernel(steps, parts_ref, out_ref):
  x = parts_ref[...]
  y = x[0] + x[1]
  gcol = lax.broadcasted_iota(jnp.int32, (128, 8), 0) // LANES
  gsel = (gcol == lax.broadcasted_iota(jnp.int32, (128, 8), 1))
  m = jnp.where(gsel, 1.0, 0.0).astype(jnp.float32)
  h = jnp.dot(y, m, preferred_element_type=jnp.float32,
              precision=lax.Precision.HIGHEST)
  t = h[:KROWS]
  p = h[KROWS:]

  col = (lax.broadcasted_iota(jnp.int32, (KROWS, 8), 0) * 8
         + lax.broadcasted_iota(jnp.int32, (KROWS, 8), 1))
  bin_ = col % NBINS
  valid = (col < NCOMBO) & (bin_ >= 1) & (bin_ <= steps)
  ttype = col // NBINS
  logt = jnp.log(jnp.where(t > 0.0, t, 1.0))
  elt = jnp.where(valid & (t > 0.0), t * (logt - p), 0.0)

  total = jnp.float32(0.0)
  kls = []
  for tt in range(4):
    kl = jnp.sum(jnp.where(ttype == tt, elt, 0.0)) / jnp.float32(steps)
    kls.append(kl)
    total = total + jnp.float32(0.0)

  ocol = lax.broadcasted_iota(jnp.int32, (1, 128), 1)
  vec = jnp.where(ocol == 0, total, jnp.float32(0.0))
  for i, kl in enumerate(kls):
    vec = jnp.where(ocol == (i + 1), kl, vec)
  out_ref[...] = vec


def kernel(trial_types, p_halts, halt_steps, response_steps):
  (b,) = trial_types.shape
  steps = p_halts.shape[1]

  info = plsc.get_sparse_core_info()
  nw = info.num_cores * info.num_subcores
  chunk = b // nw

  mesh = plsc.VectorSubcoreMesh(core_axis_name="c", subcore_axis_name="s")
  sc_call = pl.kernel(
      functools.partial(_sc_hist_kernel, chunk),
      out_type=jax.ShapeDtypeStruct((info.num_cores, HROWS, 128), jnp.float32),
      mesh=mesh,
      compiler_params=pltpu.CompilerParams(
          needs_layout_passes=False),
      scratch_types=[
          pltpu.VMEM((chunk,), jnp.int32),
          pltpu.VMEM((chunk,), jnp.int32),
          pltpu.VMEM((chunk,), jnp.int32),
          pltpu.VMEM((HROWS, 128), jnp.float32),
          pltpu.VMEM_SHARED((HROWS, 128), jnp.float32),
          pltpu.VMEM((HROWS,), jnp.int32),
          pltpu.SemaphoreType.DMA,
          pltpu.SemaphoreType.DMA,
      ],
  )
  parts = sc_call(trial_types.astype(jnp.int32),
                  response_steps.astype(jnp.int32),
                  halt_steps.astype(jnp.int32))

  out = pl.pallas_call(
      functools.partial(_tc_kl_kernel, steps),
      out_shape=jax.ShapeDtypeStruct((1, 128), jnp.float32),
  )(parts)
  return out[0, 0]

# --- scband reference (transcript-rebuilt; emitter-appended) ---
"""Pipeline reference for scband-regularization-loss-6837587935916 (READ-ONLY COPY).

The authoritative reference and input builder live on the scoring server;
editing this copy changes nothing except your own understanding.
"""

import jax, jax.numpy as jnp
import numpy as np

LAMBDA_P = 0.2
MAX_STEPS = 32


def _kl_div_batchmean(log_input, target):
    # nn.KLDivLoss(reduction='batchmean'): sum(target * (log(target) - input)) / target.shape[0]
    elt = jnp.where(target > 0, target * (jnp.log(jnp.where(target > 0, target, 1.0)) - log_input), 0.0)
    return jnp.sum(elt) / target.shape[0]


def _compute_rt_loss(rt_true, rt_pred, steps, mask):
    w = mask.astype(jnp.float32)
    p_rt_true = jnp.zeros((MAX_STEPS + 1,), dtype=jnp.float32)
    p_rt_pred = jnp.zeros((MAX_STEPS + 1,), dtype=jnp.float32)
    p_rt_true = p_rt_true.at[rt_true.astype(jnp.int32)].add(w)
    p_rt_pred = p_rt_pred.at[rt_pred.astype(jnp.int32)].add(w)
    p_rt_true = p_rt_true[1:steps + 1]
    p_rt_pred = p_rt_pred[1:steps + 1]
    _ = _kl_div_batchmean(p_rt_pred, p_rt_true)  # computed then discarded, faithful to source
    return 0.0


def setup_inputs(seed: int = 0):
    key = jax.random.key(seed)
    k1, k2, k3, k4 = jax.random.split(key, 4)
    B = 1048576
    trial_types = jax.random.randint(k1, (B,), 0, 4, dtype=jnp.int32)
    p_halts = jax.random.uniform(k2, (B, MAX_STEPS), dtype=jnp.float32)
    halt_steps = jax.random.randint(k3, (B,), 0, MAX_STEPS, dtype=jnp.int32)
    response_steps = jax.random.randint(k4, (B,), 0, MAX_STEPS, dtype=jnp.int32)
    return {"trial_types": trial_types, "p_halts": p_halts, "halt_steps": halt_steps, "response_steps": response_steps}


def reference(trial_types, p_halts, halt_steps, response_steps):
    _, steps = p_halts.shape
    total_loss = jnp.zeros((), dtype=jnp.float32)
    for tt in range(4):
        mask = trial_types == tt
        loss = _compute_rt_loss(response_steps, halt_steps, steps, mask)
        total_loss = total_loss + loss
    return total_loss

if __name__ == "__main__":
    import jax
    _d = setup_inputs()
    print(jax.jit(kernel)(*tuple(_d.values())))

</pallas_src>

<mosaic_0001>
#map = affine_map<(d0, d1) -> (0)>
#map1 = affine_map<(d0, d1) -> (0, 0, 0)>
module attributes {stable_mosaic.version = 14 : i64} {
  func.func @_sc_hist_kernel(%arg0: i32, %arg1: i32, %arg2: memref<1048576xi32, #tpu.memory_space<hbm>>, %arg3: memref<1048576xi32, #tpu.memory_space<hbm>>, %arg4: memref<1048576xi32, #tpu.memory_space<hbm>>, %arg5: memref<2x34x128xf32, #tpu.memory_space<hbm>>, %arg6: memref<32768xi32, #tpu.memory_space<vmem>>, %arg7: memref<32768xi32, #tpu.memory_space<vmem>>, %arg8: memref<32768xi32, #tpu.memory_space<vmem>>, %arg9: memref<34x128xf32, #tpu.memory_space<vmem>>, %arg10: memref<34x128xf32, #tpu.memory_space<vmem_shared>>, %arg11: memref<34xi32, #tpu.memory_space<vmem>>, %arg12: memref<!tpu.dma_semaphore, #tpu.memory_space<semaphore_mem>>, %arg13: memref<!tpu.dma_semaphore, #tpu.memory_space<semaphore_mem>>) attributes {dimension_semantics = [#tpu.dimension_semantics<core_parallel>, #tpu.dimension_semantics<subcore_parallel>], iteration_bounds = array<i64: 2, 16>, scalar_prefetch = 0 : i64, scratch_operands = 8 : i64, tpu.core_type = #tpu.core_type<sc_vector_subcore>, window_params = [{transform_indices = #map}, {transform_indices = #map}, {transform_indices = #map}, {transform_indices = #map1}]} {
    %mul3A = arith.constant 2 : i32
    %mul3A_0 = arith.muli %arg1, %mul3A : i32
    %add3A = arith.addi %mul3A_0, %arg0 : i32
    %mul3A_1 = arith.constant 32768 : i32
    %mul3A_2 = arith.muli %add3A, %mul3A_1 : i32
    %dma_start3A = arith.constant 0 : i32
    %dma_start3A_3 = tpu.memref_slice %arg6[%dma_start3A] : memref<32768xi32, #tpu.memory_space<vmem>> -> memref<16384xi32, #tpu.memory_space<vmem>>
    %dma_start3A_4 = tpu.memref_slice %arg2[%mul3A_2] : memref<1048576xi32, #tpu.memory_space<hbm>> -> memref<16384xi32, #tpu.memory_space<hbm>>
    %dma_start3A_5 = arith.constant 0 : i32
    %dma_start3A_6 = tpu.memref_slice %arg6[%dma_start3A_5] : memref<32768xi32, #tpu.memory_space<vmem>> -> memref<16384xi32, #tpu.memory_space<vmem>>
    %dma_start3A_7 = tpu.memref_slice %arg2[%mul3A_2] : memref<1048576xi32, #tpu.memory_space<hbm>> -> memref<16384xi32, #tpu.memory_space<hbm>>
    tpu.enqueue_dma source(%dma_start3A_7 : memref<16384xi32, #tpu.memory_space<hbm>>) target(%dma_start3A_6 : memref<16384xi32, #tpu.memory_space<vmem>>) target_semaphore(%arg12 : memref<!tpu.dma_semaphore, #tpu.memory_space<semaphore_mem>>)
    %dma_start3A_8 = arith.constant 0 : i32
    %dma_start3A_9 = tpu.memref_slice %arg7[%dma_start3A_8] : memref<32768xi32, #tpu.memory_space<vmem>> -> memref<16384xi32, #tpu.memory_space<vmem>>
    %dma_start3A_10 = tpu.memref_slice %arg3[%mul3A_2] : memref<1048576xi32, #tpu.memory_space<hbm>> -> memref<16384xi32, #tpu.memory_space<hbm>>
    %dma_start3A_11 = arith.constant 0 : i32
    %dma_start3A_12 = tpu.memref_slice %arg7[%dma_start3A_11] : memref<32768xi32, #tpu.memory_space<vmem>> -> memref<16384xi32, #tpu.memory_space<vmem>>
    %dma_start3A_13 = tpu.memref_slice %arg3[%mul3A_2] : memref<1048576xi32, #tpu.memory_space<hbm>> -> memref<16384xi32, #tpu.memory_space<hbm>>
    tpu.enqueue_dma source(%dma_start3A_13 : memref<16384xi32, #tpu.memory_space<hbm>>) target(%dma_start3A_12 : memref<16384xi32, #tpu.memory_space<vmem>>) target_semaphore(%arg12 : memref<!tpu.dma_semaphore, #tpu.memory_space<semaphore_mem>>)
    %dma_start3A_14 = arith.constant 0 : i32
    %dma_start3A_15 = tpu.memref_slice %arg8[%dma_start3A_14] : memref<32768xi32, #tpu.memory_space<vmem>> -> memref<16384xi32, #tpu.memory_space<vmem>>
    %dma_start3A_16 = tpu.memref_slice %arg4[%mul3A_2] : memref<1048576xi32, #tpu.memory_space<hbm>> -> memref<16384xi32, #tpu.memory_space<hbm>>
    %dma_start3A_17 = arith.constant 0 : i32
    %dma_start3A_18 = tpu.memref_slice %arg8[%dma_start3A_17] : memref<32768xi32, #tpu.memory_space<vmem>> -> memref<16384xi32, #tpu.memory_space<vmem>>
    %dma_start3A_19 = tpu.memref_slice %arg4[%mul3A_2] : memref<1048576xi32, #tpu.memory_space<hbm>> -> memref<16384xi32, #tpu.memory_space<hbm>>
    tpu.enqueue_dma source(%dma_start3A_19 : memref<16384xi32, #tpu.memory_space<hbm>>) target(%dma_start3A_18 : memref<16384xi32, #tpu.memory_space<vmem>>) target_semaphore(%arg12 : memref<!tpu.dma_semaphore, #tpu.memory_space<semaphore_mem>>)
    %add3A_20 = arith.constant 16384 : i32
    %add3A_21 = arith.addi %mul3A_2, %add3A_20 : i32
    %dma_start3A_22 = arith.constant 16384 : i32
    %dma_start3A_23 = tpu.memref_slice %arg6[%dma_start3A_22] : memref<32768xi32, #tpu.memory_space<vmem>> -> memref<16384xi32, #tpu.memory_space<vmem>>
    %dma_start3A_24 = tpu.memref_slice %arg2[%add3A_21] : memref<1048576xi32, #tpu.memory_space<hbm>> -> memref<16384xi32, #tpu.memory_space<hbm>>
    %dma_start3A_25 = arith.constant 16384 : i32
    %dma_start3A_26 = tpu.memref_slice %arg6[%dma_start3A_25] : memref<32768xi32, #tpu.memory_space<vmem>> -> memref<16384xi32, #tpu.memory_space<vmem>>
    %dma_start3A_27 = tpu.memref_slice %arg2[%add3A_21] : memref<1048576xi32, #tpu.memory_space<hbm>> -> memref<16384xi32, #tpu.memory_space<hbm>>
    tpu.enqueue_dma source(%dma_start3A_27 : memref<16384xi32, #tpu.memory_space<hbm>>) target(%dma_start3A_26 : memref<16384xi32, #tpu.memory_space<vmem>>) target_semaphore(%arg13 : memref<!tpu.dma_semaphore, #tpu.memory_space<semaphore_mem>>)
    %add3A_28 = arith.constant 16384 : i32
    %add3A_29 = arith.addi %mul3A_2, %add3A_28 : i32
    %dma_start3A_30 = arith.constant 16384 : i32
    %dma_start3A_31 = tpu.memref_slice %arg7[%dma_start3A_30] : memref<32768xi32, #tpu.memory_space<vmem>> -> memref<16384xi32, #tpu.memory_space<vmem>>
    %dma_start3A_32 = tpu.memref_slice %arg3[%add3A_29] : memref<1048576xi32, #tpu.memory_space<hbm>> -> memref<16384xi32, #tpu.memory_space<hbm>>
    %dma_start3A_33 = arith.constant 16384 : i32
    %dma_start3A_34 = tpu.memref_slice %arg7[%dma_start3A_33] : memref<32768xi32, #tpu.memory_space<vmem>> -> memref<16384xi32, #tpu.memory_space<vmem>>
    %dma_start3A_35 = tpu.memref_slice %arg3[%add3A_29] : memref<1048576xi32, #tpu.memory_space<hbm>> -> memref<16384xi32, #tpu.memory_space<hbm>>
    tpu.enqueue_dma source(%dma_start3A_35 : memref<16384xi32, #tpu.memory_space<hbm>>) target(%dma_start3A_34 : memref<16384xi32, #tpu.memory_space<vmem>>) target_semaphore(%arg13 : memref<!tpu.dma_semaphore, #tpu.memory_space<semaphore_mem>>)
    %add3A_36 = arith.constant 16384 : i32
    %add3A_37 = arith.addi %mul3A_2, %add3A_36 : i32
    %dma_start3A_38 = arith.constant 16384 : i32
    %dma_start3A_39 = tpu.memref_slice %arg8[%dma_start3A_38] : memref<32768xi32, #tpu.memory_space<vmem>> -> memref<16384xi32, #tpu.memory_space<vmem>>
    %dma_start3A_40 = tpu.memref_slice %arg4[%add3A_37] : memref<1048576xi32, #tpu.memory_space<hbm>> -> memref<16384xi32, #tpu.memory_space<hbm>>
    %dma_start3A_41 = arith.constant 16384 : i32
    %dma_start3A_42 = tpu.memref_slice %arg8[%dma_start3A_41] : memref<32768xi32, #tpu.memory_space<vmem>> -> memref<16384xi32, #tpu.memory_space<vmem>>
    %dma_start3A_43 = tpu.memref_slice %arg4[%add3A_37] : memref<1048576xi32, #tpu.memory_space<hbm>> -> memref<16384xi32, #tpu.memory_space<hbm>>
    tpu.enqueue_dma source(%dma_start3A_43 : memref<16384xi32, #tpu.memory_space<hbm>>) target(%dma_start3A_42 : memref<16384xi32, #tpu.memory_space<vmem>>) target_semaphore(%arg13 : memref<!tpu.dma_semaphore, #tpu.memory_space<semaphore_mem>>)
    %iota3A = tpu.iota {dimensions = array<i32: 0>} : vector<16xi32>
    %broadcast_in_dim3A = arith.constant 0.000000e+00 : f32
    %broadcast_in_dim3A_44 = vector.broadcast %broadcast_in_dim3A : f32 to vector<16xf32>
    %broadcast_in_dim3A_45 = arith.constant 1.000000e+00 : f32
    %broadcast_in_dim3A_46 = vector.broadcast %broadcast_in_dim3A_45 : f32 to vector<16xf32>
    %swap3A = arith.constant 0 : index
    %swap3A_47 = tpu.vector_load %arg11[%swap3A] {strides = array<i32>} : memref<34xi32, #tpu.memory_space<vmem>>, vector<16xi32>,
    tpu.vector_store %arg11[%swap3A], %iota3A {strides = array<i32>} : memref<34xi32, #tpu.memory_space<vmem>>, vector<16xi32>,
    %add3A_48 = arith.constant 16 : i32
    %add3A_49 = vector.broadcast %add3A_48 : i32 to vector<16xi32>
    %add3A_50 = arith.addi %iota3A, %add3A_49 : vector<16xi32>
    %swap3A_51 = arith.constant 16 : index
    %swap3A_52 = tpu.vector_load %arg11[%swap3A_51] {strides = array<i32>} : memref<34xi32, #tpu.memory_space<vmem>>, vector<16xi32>,
    tpu.vector_store %arg11[%swap3A_51], %add3A_50 {strides = array<i32>} : memref<34xi32, #tpu.memory_space<vmem>>, vector<16xi32>,
    %add3A_53 = arith.constant 32 : i32
    %add3A_54 = vector.broadcast %add3A_53 : i32 to vector<16xi32>
    %add3A_55 = arith.addi %iota3A, %add3A_54 : vector<16xi32>
    %add3A_56 = arith.constant 32 : i32
    %add3A_57 = vector.broadcast %add3A_56 : i32 to vector<16xi32>
    %add3A_58 = arith.addi %iota3A, %add3A_57 : vector<16xi32>
    %add3A_59 = arith.constant 32 : i32
    %add3A_60 = vector.broadcast %add3A_59 : i32 to vector<16xi32>
    %add3A_61 = arith.addi %iota3A, %add3A_60 : vector<16xi32>
    %lt3A = arith.constant 34 : i32
    %lt3A_62 = vector.broadcast %lt3A : i32 to vector<16xi32>
    %lt3A_63 = arith.cmpi slt, %add3A_61, %lt3A_62 : vector<16xi32>
    tpu.vector_store_idx %arg11[%add3A_55], %add3A_58 masked %lt3A_63 : memref<34xi32, #tpu.memory_space<vmem>>[vector<16xi32>], vector<16xi32>, vector<16xi1>
    %scan3A = arith.constant 0 : i32
    %scan3A_64 = arith.constant 34 : i32
    %scan3A_65 = arith.addi %scan3A, %scan3A_64 : i32
    %scan3A_66 = arith.constant 1 : i32
    scf.for %scan3A_120 = %scan3A to %scan3A_65 step %scan3A_66  : i32 {
      %swap3A_121 = arith.index_cast %scan3A_120 : i32 to index
      %swap3A_122 = arith.constant 0 : index
      %swap3A_123 = tpu.vector_load %arg9[%swap3A_121, %swap3A_122] {strides = array<i32>} : memref<34x128xf32, #tpu.memory_space<vmem>>, vector<16xf32>,
      tpu.vector_store %arg9[%swap3A_121, %swap3A_122], %broadcast_in_dim3A_44 {strides = array<i32>} : memref<34x128xf32, #tpu.memory_space<vmem>>, vector<16xf32>,
      %swap3A_124 = arith.index_cast %scan3A_120 : i32 to index
      %swap3A_125 = arith.constant 16 : index
      %swap3A_126 = tpu.vector_load %arg9[%swap3A_124, %swap3A_125] {strides = array<i32>} : memref<34x128xf32, #tpu.memory_space<vmem>>, vector<16xf32>,
      tpu.vector_store %arg9[%swap3A_124, %swap3A_125], %broadcast_in_dim3A_44 {strides = array<i32>} : memref<34x128xf32, #tpu.memory_space<vmem>>, vector<16xf32>,
      %swap3A_127 = arith.index_cast %scan3A_120 : i32 to index
      %swap3A_128 = arith.constant 32 : index
      %swap3A_129 = tpu.vector_load %arg9[%swap3A_127, %swap3A_128] {strides = array<i32>} : memref<34x128xf32, #tpu.memory_space<vmem>>, vector<16xf32>,
      tpu.vector_store %arg9[%swap3A_127, %swap3A_128], %broadcast_in_dim3A_44 {strides = array<i32>} : memref<34x128xf32, #tpu.memory_space<vmem>>, vector<16xf32>,
      %swap3A_130 = arith.index_cast %scan3A_120 : i32 to index
      %swap3A_131 = arith.constant 48 : index
      %swap3A_132 = tpu.vector_load %arg9[%swap3A_130, %swap3A_131] {strides = array<i32>} : memref<34x128xf32, #tpu.memory_space<vmem>>, vector<16xf32>,
      tpu.vector_store %arg9[%swap3A_130, %swap3A_131], %broadcast_in_dim3A_44 {strides = array<i32>} : memref<34x128xf32, #tpu.memory_space<vmem>>, vector<16xf32>,
      %swap3A_133 = arith.index_cast %scan3A_120 : i32 to index
      %swap3A_134 = arith.constant 64 : index
      %swap3A_135 = tpu.vector_load %arg9[%swap3A_133, %swap3A_134] {strides = array<i32>} : memref<34x128xf32, #tpu.memory_space<vmem>>, vector<16xf32>,
      tpu.vector_store %arg9[%swap3A_133, %swap3A_134], %broadcast_in_dim3A_44 {strides = array<i32>} : memref<34x128xf32, #tpu.memory_space<vmem>>, vector<16xf32>,
      %swap3A_136 = arith.index_cast %scan3A_120 : i32 to index
      %swap3A_137 = arith.constant 80 : index
      %swap3A_138 = tpu.vector_load %arg9[%swap3A_136, %swap3A_137] {strides = array<i32>} : memref<34x128xf32, #tpu.memory_space<vmem>>, vector<16xf32>,
      tpu.vector_store %arg9[%swap3A_136, %swap3A_137], %broadcast_in_dim3A_44 {strides = array<i32>} : memref<34x128xf32, #tpu.memory_space<vmem>>, vector<16xf32>,
      %swap3A_139 = arith.index_cast %scan3A_120 : i32 to index
      %swap3A_140 = arith.constant 96 : index
      %swap3A_141 = tpu.vector_load %arg9[%swap3A_139, %swap3A_140] {strides = array<i32>} : memref<34x128xf32, #tpu.memory_space<vmem>>, vector<16xf32>,
      tpu.vector_store %arg9[%swap3A_139, %swap3A_140], %broadcast_in_dim3A_44 {strides = array<i32>} : memref<34x128xf32, #tpu.memory_space<vmem>>, vector<16xf32>,
      %swap3A_142 = arith.index_cast %scan3A_120 : i32 to index
      %swap3A_143 = arith.constant 112 : index
      %swap3A_144 = tpu.vector_load %arg9[%swap3A_142, %swap3A_143] {strides = array<i32>} : memref<34x128xf32, #tpu.memory_space<vmem>>, vector<16xf32>,
      tpu.vector_store %arg9[%swap3A_142, %swap3A_143], %broadcast_in_dim3A_44 {strides = array<i32>} : memref<34x128xf32, #tpu.memory_space<vmem>>, vector<16xf32>,
    }
    %scan3A_67 = arith.constant 34 : i32
    %dma_wait3A = arith.constant 0 : i32
    %dma_wait3A_68 = tpu.memref_slice %arg6[%dma_wait3A] : memref<32768xi32, #tpu.memory_space<vmem>> -> memref<16384xi32, #tpu.memory_space<vmem>>
    %dma_wait3A_69 = tpu.memref_slice %arg2[%mul3A_2] : memref<1048576xi32, #tpu.memory_space<hbm>> -> memref<16384xi32, #tpu.memory_space<hbm>>
    %dma_wait3A_70 = arith.constant 0 : i32
    %dma_wait3A_71 = tpu.memref_slice %arg6[%dma_wait3A_70] : memref<32768xi32, #tpu.memory_space<vmem>> -> memref<16384xi32, #tpu.memory_space<vmem>>
    %dma_wait3A_72 = tpu.memref_slice %arg2[%mul3A_2] : memref<1048576xi32, #tpu.memory_space<hbm>> -> memref<16384xi32, #tpu.memory_space<hbm>>
    tpu.wait_dma2 semaphore(%arg12 : memref<!tpu.dma_semaphore, #tpu.memory_space<semaphore_mem>>) src(%dma_wait3A_72 : memref<16384xi32, #tpu.memory_space<hbm>>) dst(%dma_wait3A_71 : memref<16384xi32, #tpu.memory_space<vmem>>)
    %dma_wait3A_73 = arith.constant 0 : i32
    %dma_wait3A_74 = tpu.memref_slice %arg7[%dma_wait3A_73] : memref<32768xi32, #tpu.memory_space<vmem>> -> memref<16384xi32, #tpu.memory_space<vmem>>
    %dma_wait3A_75 = tpu.memref_slice %arg3[%mul3A_2] : memref<1048576xi32, #tpu.memory_space<hbm>> -> memref<16384xi32, #tpu.memory_space<hbm>>
    %dma_wait3A_76 = arith.constant 0 : i32
    %dma_wait3A_77 = tpu.memref_slice %arg7[%dma_wait3A_76] : memref<32768xi32, #tpu.memory_space<vmem>> -> memref<16384xi32, #tpu.memory_space<vmem>>
    %dma_wait3A_78 = tpu.memref_slice %arg3[%mul3A_2] : memref<1048576xi32, #tpu.memory_space<hbm>> -> memref<16384xi32, #tpu.memory_space<hbm>>
    tpu.wait_dma2 semaphore(%arg12 : memref<!tpu.dma_semaphore, #tpu.memory_space<semaphore_mem>>) src(%dma_wait3A_78 : memref<16384xi32, #tpu.memory_space<hbm>>) dst(%dma_wait3A_77 : memref<16384xi32, #tpu.memory_space<vmem>>)
    %dma_wait3A_79 = arith.constant 0 : i32
    %dma_wait3A_80 = tpu.memref_slice %arg8[%dma_wait3A_79] : memref<32768xi32, #tpu.memory_space<vmem>> -> memref<16384xi32, #tpu.memory_space<vmem>>
    %dma_wait3A_81 = tpu.memref_slice %arg4[%mul3A_2] : memref<1048576xi32, #tpu.memory_space<hbm>> -> memref<16384xi32, #tpu.memory_space<hbm>>
    %dma_wait3A_82 = arith.constant 0 : i32
    %dma_wait3A_83 = tpu.memref_slice %arg8[%dma_wait3A_82] : memref<32768xi32, #tpu.memory_space<vmem>> -> memref<16384xi32, #tpu.memory_space<vmem>>
    %dma_wait3A_84 = tpu.memref_slice %arg4[%mul3A_2] : memref<1048576xi32, #tpu.memory_space<hbm>> -> memref<16384xi32, #tpu.memory_space<hbm>>
    tpu.wait_dma2 semaphore(%arg12 : memref<!tpu.dma_semaphore, #tpu.memory_space<semaphore_mem>>) src(%dma_wait3A_84 : memref<16384xi32, #tpu.memory_space<hbm>>) dst(%dma_wait3A_83 : memref<16384xi32, #tpu.memory_space<vmem>>)
    %parallel_loop3A = arith.constant 0 : i32
    %parallel_loop3A_85 = arith.constant 1024 : i32
    %parallel_loop3A_86 = arith.constant 1 : i32
    scf.for %parallel_loop3A_120 = %parallel_loop3A to %parallel_loop3A_85 step %parallel_loop3A_86  : i32 {
      %parallel_loop3A_121 = arith.constant 16 : i32
      %parallel_loop3A_122 = arith.muli %parallel_loop3A_120, %parallel_loop3A_121 : i32
      %parallel_loop3A_123 = arith.index_cast %parallel_loop3A_122 : i32 to index
      %parallel_loop3A_124 = tpu.vector_load %arg6[%parallel_loop3A_123] {strides = array<i32>} : memref<32768xi32, #tpu.memory_space<vmem>>, vector<16xi32>,
      %parallel_loop3A_125 = arith.index_cast %parallel_loop3A_122 : i32 to index
      %parallel_loop3A_126 = tpu.vector_load %arg7[%parallel_loop3A_125] {strides = array<i32>} : memref<32768xi32, #tpu.memory_space<vmem>>, vector<16xi32>,
      %parallel_loop3A_127 = arith.index_cast %parallel_loop3A_122 : i32 to index
      %parallel_loop3A_128 = tpu.vector_load %arg8[%parallel_loop3A_127] {strides = array<i32>} : memref<32768xi32, #tpu.memory_space<vmem>>, vector<16xi32>,
      %parallel_loop3A_129 = arith.constant 528 : i32
      %parallel_loop3A_130 = vector.broadcast %parallel_loop3A_129 : i32 to vector<16xi32>
      %parallel_loop3A_131 = arith.muli %parallel_loop3A_124, %parallel_loop3A_130 : vector<16xi32>
      %parallel_loop3A_132 = arith.addi %parallel_loop3A_131, %iota3A : vector<16xi32>
      %parallel_loop3A_133 = arith.constant 16 : i32
      %parallel_loop3A_134 = vector.broadcast %parallel_loop3A_133 : i32 to vector<16xi32>
      %parallel_loop3A_135 = arith.muli %parallel_loop3A_126, %parallel_loop3A_134 : vector<16xi32>
      %parallel_loop3A_136 = arith.addi %parallel_loop3A_132, %parallel_loop3A_135 : vector<16xi32>
      %parallel_loop3A_137 = arith.constant 16 : i32
      %parallel_loop3A_138 = vector.broadcast %parallel_loop3A_137 : i32 to vector<16xi32>
      %parallel_loop3A_139 = arith.muli %parallel_loop3A_128, %parallel_loop3A_138 : vector<16xi32>
      %parallel_loop3A_140 = arith.addi %parallel_loop3A_132, %parallel_loop3A_139 : vector<16xi32>
      %parallel_loop3A_141 = arith.constant 2176 : i32
      %parallel_loop3A_142 = vector.broadcast %parallel_loop3A_141 : i32 to vector<16xi32>
      %parallel_loop3A_143 = arith.addi %parallel_loop3A_140, %parallel_loop3A_142 : vector<16xi32>
      %parallel_loop3A_144 = arith.constant 7 : i32
      %parallel_loop3A_145 = vector.broadcast %parallel_loop3A_144 : i32 to vector<16xi32>
      %parallel_loop3A_146 = arith.shrui %parallel_loop3A_136, %parallel_loop3A_145 : vector<16xi32>
      %parallel_loop3A_147 = arith.constant 127 : i32
      %parallel_loop3A_148 = vector.broadcast %parallel_loop3A_147 : i32 to vector<16xi32>
      %parallel_loop3A_149 = arith.andi %parallel_loop3A_136, %parallel_loop3A_148 : vector<16xi32>
      tpu.vector_store_idx %arg9[%parallel_loop3A_146, %parallel_loop3A_149], %broadcast_in_dim3A_46 {add = true} : memref<34x128xf32, #tpu.memory_space<vmem>>[vector<16xi32>, vector<16xi32>], vector<16xf32>,
      %parallel_loop3A_150 = arith.constant 7 : i32
      %parallel_loop3A_151 = vector.broadcast %parallel_loop3A_150 : i32 to vector<16xi32>
      %parallel_loop3A_152 = arith.shrui %parallel_loop3A_143, %parallel_loop3A_151 : vector<16xi32>
      %parallel_loop3A_153 = arith.constant 127 : i32
      %parallel_loop3A_154 = vector.broadcast %parallel_loop3A_153 : i32 to vector<16xi32>
      %parallel_loop3A_155 = arith.andi %parallel_loop3A_143, %parallel_loop3A_154 : vector<16xi32>
      tpu.vector_store_idx %arg9[%parallel_loop3A_152, %parallel_loop3A_155], %broadcast_in_dim3A_46 {add = true} : memref<34x128xf32, #tpu.memory_space<vmem>>[vector<16xi32>, vector<16xi32>], vector<16xf32>,
    } {sc.loop_unroll_factor = 4 : i64, sc.parallel_access}
    %dma_wait3A_87 = arith.constant 16384 : i32
    %dma_wait3A_88 = tpu.memref_slice %arg6[%dma_wait3A_87] : memref<32768xi32, #tpu.memory_space<vmem>> -> memref<16384xi32, #tpu.memory_space<vmem>>
    %dma_wait3A_89 = tpu.memref_slice %arg2[%add3A_21] : memref<1048576xi32, #tpu.memory_space<hbm>> -> memref<16384xi32, #tpu.memory_space<hbm>>
    %dma_wait3A_90 = arith.constant 16384 : i32
    %dma_wait3A_91 = tpu.memref_slice %arg6[%dma_wait3A_90] : memref<32768xi32, #tpu.memory_space<vmem>> -> memref<16384xi32, #tpu.memory_space<vmem>>
    %dma_wait3A_92 = tpu.memref_slice %arg2[%add3A_21] : memref<1048576xi32, #tpu.memory_space<hbm>> -> memref<16384xi32, #tpu.memory_space<hbm>>
    tpu.wait_dma2 semaphore(%arg13 : memref<!tpu.dma_semaphore, #tpu.memory_space<semaphore_mem>>) src(%dma_wait3A_92 : memref<16384xi32, #tpu.memory_space<hbm>>) dst(%dma_wait3A_91 : memref<16384xi32, #tpu.memory_space<vmem>>)
    %dma_wait3A_93 = arith.constant 16384 : i32
    %dma_wait3A_94 = tpu.memref_slice %arg7[%dma_wait3A_93] : memref<32768xi32, #tpu.memory_space<vmem>> -> memref<16384xi32, #tpu.memory_space<vmem>>
    %dma_wait3A_95 = tpu.memref_slice %arg3[%add3A_29] : memref<1048576xi32, #tpu.memory_space<hbm>> -> memref<16384xi32, #tpu.memory_space<hbm>>
    %dma_wait3A_96 = arith.constant 16384 : i32
    %dma_wait3A_97 = tpu.memref_slice %arg7[%dma_wait3A_96] : memref<32768xi32, #tpu.memory_space<vmem>> -> memref<16384xi32, #tpu.memory_space<vmem>>
    %dma_wait3A_98 = tpu.memref_slice %arg3[%add3A_29] : memref<1048576xi32, #tpu.memory_space<hbm>> -> memref<16384xi32, #tpu.memory_space<hbm>>
    tpu.wait_dma2 semaphore(%arg13 : memref<!tpu.dma_semaphore, #tpu.memory_space<semaphore_mem>>) src(%dma_wait3A_98 : memref<16384xi32, #tpu.memory_space<hbm>>) dst(%dma_wait3A_97 : memref<16384xi32, #tpu.memory_space<vmem>>)
    %dma_wait3A_99 = arith.constant 16384 : i32
    %dma_wait3A_100 = tpu.memref_slice %arg8[%dma_wait3A_99] : memref<32768xi32, #tpu.memory_space<vmem>> -> memref<16384xi32, #tpu.memory_space<vmem>>
    %dma_wait3A_101 = tpu.memref_slice %arg4[%add3A_37] : memref<1048576xi32, #tpu.memory_space<hbm>> -> memref<16384xi32, #tpu.memory_space<hbm>>
    %dma_wait3A_102 = arith.constant 16384 : i32
    %dma_wait3A_103 = tpu.memref_slice %arg8[%dma_wait3A_102] : memref<32768xi32, #tpu.memory_space<vmem>> -> memref<16384xi32, #tpu.memory_space<vmem>>
    %dma_wait3A_104 = tpu.memref_slice %arg4[%add3A_37] : memref<1048576xi32, #tpu.memory_space<hbm>> -> memref<16384xi32, #tpu.memory_space<hbm>>
    tpu.wait_dma2 semaphore(%arg13 : memref<!tpu.dma_semaphore, #tpu.memory_space<semaphore_mem>>) src(%dma_wait3A_104 : memref<16384xi32, #tpu.memory_space<hbm>>) dst(%dma_wait3A_103 : memref<16384xi32, #tpu.memory_space<vmem>>)
    %parallel_loop3A_105 = arith.constant 1024 : i32
    %parallel_loop3A_106 = arith.constant 2048 : i32
    %parallel_loop3A_107 = arith.constant 1 : i32
    scf.for %parallel_loop3A_120 = %parallel_loop3A_105 to %parallel_loop3A_106 step %parallel_loop3A_107  : i32 {
      %parallel_loop3A_121 = arith.constant 16 : i32
      %parallel_loop3A_122 = arith.muli %parallel_loop3A_120, %parallel_loop3A_121 : i32
      %parallel_loop3A_123 = arith.index_cast %parallel_loop3A_122 : i32 to index
      %parallel_loop3A_124 = tpu.vector_load %arg6[%parallel_loop3A_123] {strides = array<i32>} : memref<32768xi32, #tpu.memory_space<vmem>>, vector<16xi32>,
      %parallel_loop3A_125 = arith.index_cast %parallel_loop3A_122 : i32 to index
      %parallel_loop3A_126 = tpu.vector_load %arg7[%parallel_loop3A_125] {strides = array<i32>} : memref<32768xi32, #tpu.memory_space<vmem>>, vector<16xi32>,
      %parallel_loop3A_127 = arith.index_cast %parallel_loop3A_122 : i32 to index
      %parallel_loop3A_128 = tpu.vector_load %arg8[%parallel_loop3A_127] {strides = array<i32>} : memref<32768xi32, #tpu.memory_space<vmem>>, vector<16xi32>,
      %parallel_loop3A_129 = arith.constant 528 : i32
      %parallel_loop3A_130 = vector.broadcast %parallel_loop3A_129 : i32 to vector<16xi32>
      %parallel_loop3A_131 = arith.muli %parallel_loop3A_124, %parallel_loop3A_130 : vector<16xi32>
      %parallel_loop3A_132 = arith.addi %parallel_loop3A_131, %iota3A : vector<16xi32>
      %parallel_loop3A_133 = arith.constant 16 : i32
      %parallel_loop3A_134 = vector.broadcast %parallel_loop3A_133 : i32 to vector<16xi32>
      %parallel_loop3A_135 = arith.muli %parallel_loop3A_126, %parallel_loop3A_134 : vector<16xi32>
      %parallel_loop3A_136 = arith.addi %parallel_loop3A_132, %parallel_loop3A_135 : vector<16xi32>
      %parallel_loop3A_137 = arith.constant 16 : i32
      %parallel_loop3A_138 = vector.broadcast %parallel_loop3A_137 : i32 to vector<16xi32>
      %parallel_loop3A_139 = arith.muli %parallel_loop3A_128, %parallel_loop3A_138 : vector<16xi32>
      %parallel_loop3A_140 = arith.addi %parallel_loop3A_132, %parallel_loop3A_139 : vector<16xi32>
      %parallel_loop3A_141 = arith.constant 2176 : i32
      %parallel_loop3A_142 = vector.broadcast %parallel_loop3A_141 : i32 to vector<16xi32>
      %parallel_loop3A_143 = arith.addi %parallel_loop3A_140, %parallel_loop3A_142 : vector<16xi32>
      %parallel_loop3A_144 = arith.constant 7 : i32
      %parallel_loop3A_145 = vector.broadcast %parallel_loop3A_144 : i32 to vector<16xi32>
      %parallel_loop3A_146 = arith.shrui %parallel_loop3A_136, %parallel_loop3A_145 : vector<16xi32>
      %parallel_loop3A_147 = arith.constant 127 : i32
      %parallel_loop3A_148 = vector.broadcast %parallel_loop3A_147 : i32 to vector<16xi32>
      %parallel_loop3A_149 = arith.andi %parallel_loop3A_136, %parallel_loop3A_148 : vector<16xi32>
      tpu.vector_store_idx %arg9[%parallel_loop3A_146, %parallel_loop3A_149], %broadcast_in_dim3A_46 {add = true} : memref<34x128xf32, #tpu.memory_space<vmem>>[vector<16xi32>, vector<16xi32>], vector<16xf32>,
      %parallel_loop3A_150 = arith.constant 7 : i32
      %parallel_loop3A_151 = vector.broadcast %parallel_loop3A_150 : i32 to vector<16xi32>
      %parallel_loop3A_152 = arith.shrui %parallel_loop3A_143, %parallel_loop3A_151 : vector<16xi32>
      %parallel_loop3A_153 = arith.constant 127 : i32
      %parallel_loop3A_154 = vector.broadcast %parallel_loop3A_153 : i32 to vector<16xi32>
      %parallel_loop3A_155 = arith.andi %parallel_loop3A_143, %parallel_loop3A_154 : vector<16xi32>
      tpu.vector_store_idx %arg9[%parallel_loop3A_152, %parallel_loop3A_155], %broadcast_in_dim3A_46 {add = true} : memref<34x128xf32, #tpu.memory_space<vmem>>[vector<16xi32>, vector<16xi32>], vector<16xf32>,
    } {sc.loop_unroll_factor = 4 : i64, sc.parallel_access}
    %eq3A = arith.constant 0 : i32
    %eq3A_108 = arith.cmpi eq, %arg1, %eq3A : i32
    %convert_element_type3A = arith.extui %eq3A_108 : i1 to i32
    %cond3A = arith.constant 0 : i32
    %cond3A_109 = arith.cmpi ne, %convert_element_type3A, %cond3A : i32
    scf.if %cond3A_109 {
      "tpu.region"() ({
        %run_scoped3A = tpu.sem_alloc : memref<!tpu.dma_semaphore, #tpu.memory_space<semaphore_mem>>
        tpu.enqueue_dma source(%arg9 : memref<34x128xf32, #tpu.memory_space<vmem>>) target(%arg10 : memref<34x128xf32, #tpu.memory_space<vmem_shared>>) target_semaphore(%run_scoped3A : memref<!tpu.dma_semaphore, #tpu.memory_space<semaphore_mem>>)
        tpu.wait_dma2 semaphore(%run_scoped3A : memref<!tpu.dma_semaphore, #tpu.memory_space<semaphore_mem>>) src(%arg9 : memref<34x128xf32, #tpu.memory_space<vmem>>) dst(%arg10 : memref<34x128xf32, #tpu.memory_space<vmem_shared>>)
        tpu.yield
      }) : () -> ()
    } else {
    }
    %barrier3A = arith.constant 0 : index
    tpu.barrier barrier_id(%barrier3A)
    %ne3A = arith.constant 0 : i32
    %ne3A_110 = arith.cmpi ne, %arg1, %ne3A : i32
    %convert_element_type3A_111 = arith.extui %ne3A_110 : i1 to i32
    %cond3A_112 = arith.constant 0 : i32
    %cond3A_113 = arith.cmpi ne, %convert_element_type3A_111, %cond3A_112 : i32
    scf.if %cond3A_113 {
      %dma_start3A_120 = arith.constant 0 : i32
      %dma_start3A_121 = arith.constant 0 : i32
      %dma_start3A_122 = tpu.memref_slice %arg10[%dma_start3A_120, %dma_start3A_121] : memref<34x128xf32, #tpu.memory_space<vmem_shared>> -> memref<34x128xf32, #tpu.memory_space<vmem_shared>>
      tpu.enqueue_indirect_dma source(%arg9 : memref<34x128xf32, #tpu.memory_space<vmem>>) target(%dma_start3A_122 : memref<34x128xf32, #tpu.memory_space<vmem_shared>>) offsets(%arg11 : memref<34xi32, #tpu.memory_space<vmem>>) semaphore(%arg12 : memref<!tpu.dma_semaphore, #tpu.memory_space<semaphore_mem>>) {add = true}
      %dma_wait3A_123 = arith.constant 0 : i32
      %dma_wait3A_124 = arith.constant 0 : i32
      %dma_wait3A_125 = tpu.memref_slice %arg10[%dma_wait3A_123, %dma_wait3A_124] : memref<34x128xf32, #tpu.memory_space<vmem_shared>> -> memref<34x128xf32, #tpu.memory_space<vmem_shared>>
      tpu.wait_indirect_dma semaphore(%arg12 : memref<!tpu.dma_semaphore, #tpu.memory_space<semaphore_mem>>) src(%arg9 : memref<34x128xf32, #tpu.memory_space<vmem>>) dst(%dma_wait3A_125 : memref<34x128xf32, #tpu.memory_space<vmem_shared>>)
    } else {
    }
    %barrier3A_114 = arith.constant 0 : index
    tpu.barrier barrier_id(%barrier3A_114)
    %eq3A_115 = arith.constant 0 : i32
    %eq3A_116 = arith.cmpi eq, %arg1, %eq3A_115 : i32
    %convert_element_type3A_117 = arith.extui %eq3A_116 : i1 to i32
    %cond3A_118 = arith.constant 0 : i32
    %cond3A_119 = arith.cmpi ne, %convert_element_type3A_117, %cond3A_118 : i32
    scf.if %cond3A_119 {
      "tpu.region"() ({
        %run_scoped3A = tpu.sem_alloc : memref<!tpu.dma_semaphore, #tpu.memory_space<semaphore_mem>>
        %dma_start3A_120 = arith.constant 0 : i32
        %dma_start3A_121 = arith.constant 0 : i32
        %dma_start3A_122 = tpu.memref_slice %arg5[%arg0, %dma_start3A_120, %dma_start3A_121] : memref<2x34x128xf32, #tpu.memory_space<hbm>> -> memref<1x34x128xf32, #tpu.memory_space<hbm>>
        %dma_start3A_123 = tpu.memref_squeeze %dma_start3A_122 : memref<1x34x128xf32, #tpu.memory_space<hbm>> -> memref<34x128xf32, #tpu.memory_space<hbm>>
        tpu.enqueue_dma source(%arg10 : memref<34x128xf32, #tpu.memory_space<vmem_shared>>) target(%dma_start3A_123 : memref<34x128xf32, #tpu.memory_space<hbm>>) target_semaphore(%run_scoped3A : memref<!tpu.dma_semaphore, #tpu.memory_space<semaphore_mem>>)
        %dma_wait3A_124 = arith.constant 0 : i32
        %dma_wait3A_125 = arith.constant 0 : i32
        %dma_wait3A_126 = tpu.memref_slice %arg5[%arg0, %dma_wait3A_124, %dma_wait3A_125] : memref<2x34x128xf32, #tpu.memory_space<hbm>> -> memref<1x34x128xf32, #tpu.memory_space<hbm>>
        %dma_wait3A_127 = tpu.memref_squeeze %dma_wait3A_126 : memref<1x34x128xf32, #tpu.memory_space<hbm>> -> memref<34x128xf32, #tpu.memory_space<hbm>>
        tpu.wait_dma2 semaphore(%run_scoped3A : memref<!tpu.dma_semaphore, #tpu.memory_space<semaphore_mem>>) src(%arg10 : memref<34x128xf32, #tpu.memory_space<vmem_shared>>) dst(%dma_wait3A_127 : memref<34x128xf32, #tpu.memory_space<hbm>>)
        tpu.yield
      }) : () -> ()
    } else {
    }
    return
  }
}

module attributes {stable_mosaic.version = 14 : i64} {
  func.func @_tc_kl_kernel(%arg0: memref<2x34x128xf32, #tpu.memory_space<vmem>>, %arg1: memref<1x128xf32, #tpu.memory_space<vmem>>) attributes {dimension_semantics = [], scalar_prefetch = 0 : i64, scratch_operands = 0 : i64, tpu.core_type = #tpu.core_type<tc>} {
    %get3A = arith.constant 0 : index
    %get3A_0 = arith.constant 0 : index
    %get3A_1 = arith.constant 0 : index
    %get3A_2 = vector.load %arg0[%get3A, %get3A_0, %get3A_1] : memref<2x34x128xf32, #tpu.memory_space<vmem>>, vector<2x34x128xf32>
    %slice3A = vector.extract_strided_slice %get3A_2 {offsets = [0, 0, 0], sizes = [1, 34, 128], strides = [1, 1, 1]} : vector<2x34x128xf32> to vector<1x34x128xf32>
    %squeeze3A = vector.shape_cast %slice3A : vector<1x34x128xf32> to vector<34x128xf32>
    %slice3A_3 = vector.extract_strided_slice %get3A_2 {offsets = [1, 0, 0], sizes = [1, 34, 128], strides = [1, 1, 1]} : vector<2x34x128xf32> to vector<1x34x128xf32>
    %squeeze3A_4 = vector.shape_cast %slice3A_3 : vector<1x34x128xf32> to vector<34x128xf32>
    %add3A = arith.addf %squeeze3A, %squeeze3A_4 : vector<34x128xf32>
    %iota3A = tpu.iota {dimensions = array<i32: 0>} : vector<128x8xi32>
    %jit3A = arith.constant 16 : i32
    %div3A = vector.broadcast %jit3A : i32 to vector<128x8xi32>
    %div3A_5 = arith.divsi %iota3A, %div3A : vector<128x8xi32>
    %sign3A = arith.constant 0 : i32
    %sign3A_6 = vector.broadcast %sign3A : i32 to vector<128x8xi32>
    %sign3A_7 = arith.cmpi sgt, %iota3A, %sign3A_6 : vector<128x8xi32>
    %sign3A_8 = arith.extui %sign3A_7 : vector<128x8xi1> to vector<128x8xi32>
    %sign3A_9 = arith.constant 0 : i32
    %sign3A_10 = vector.broadcast %sign3A_9 : i32 to vector<128x8xi32>
    %sign3A_11 = arith.cmpi slt, %iota3A, %sign3A_10 : vector<128x8xi32>
    %sign3A_12 = arith.extui %sign3A_11 : vector<128x8xi1> to vector<128x8xi32>
    %sign3A_13 = arith.subi %sign3A_8, %sign3A_12 : vector<128x8xi32>
    %sign3A_14 = arith.constant 0 : i32
    %sign3A_15 = arith.cmpi sgt, %jit3A, %sign3A_14 : i32
    %sign3A_16 = arith.extui %sign3A_15 : i1 to i32
    %sign3A_17 = arith.constant 0 : i32
    %sign3A_18 = arith.cmpi slt, %jit3A, %sign3A_17 : i32
    %sign3A_19 = arith.extui %sign3A_18 : i1 to i32
    %sign3A_20 = arith.subi %sign3A_16, %sign3A_19 : i32
    %ne3A = vector.broadcast %sign3A_20 : i32 to vector<128x8xi32>
    %ne3A_21 = arith.cmpi ne, %sign3A_13, %ne3A : vector<128x8xi32>
    %rem3A = vector.broadcast %jit3A : i32 to vector<128x8xi32>
    %rem3A_22 = arith.remsi %iota3A, %rem3A : vector<128x8xi32>
    %ne3A_23 = arith.constant 0 : i32
    %ne3A_24 = vector.broadcast %ne3A_23 : i32 to vector<128x8xi32>
    %ne3A_25 = arith.cmpi ne, %rem3A_22, %ne3A_24 : vector<128x8xi32>
    %and3A = arith.andi %ne3A_21, %ne3A_25 : vector<128x8xi1>
    %sub3A = arith.constant 1 : i32
    %sub3A_26 = vector.broadcast %sub3A : i32 to vector<128x8xi32>
    %sub3A_27 = arith.subi %div3A_5, %sub3A_26 : vector<128x8xi32>
    %select_n3A = arith.select %and3A, %sub3A_27, %div3A_5 : vector<128x8xi1>, vector<128x8xi32>
    %iota3A_28 = tpu.iota {dimensions = array<i32: 1>} : vector<128x8xi32>
    %eq3A = arith.cmpi eq, %select_n3A, %iota3A_28 : vector<128x8xi32>
    %jit3A_29 = arith.constant 1.000000e+00 : f32
    %jit3A_30 = arith.constant 0.000000e+00 : f32
    %broadcast_in_dim3A = vector.broadcast %jit3A_29 : f32 to vector<128x8xf32>
    %broadcast_in_dim3A_31 = vector.broadcast %jit3A_30 : f32 to vector<128x8xf32>
    %select_n3A_32 = arith.select %eq3A, %broadcast_in_dim3A, %broadcast_in_dim3A_31 : vector<128x8xi1>, vector<128x8xf32>
    %dot_general3A = arith.constant dense<0.000000e+00> : vector<34x8xf32>
    %dot_general3A_33 = tpu.matmul %add3A, %select_n3A_32, %dot_general3A {dimension_numbers = #tpu.dot_dimension_numbers<[1], [0], [0], [1], [0, 0, 1, 1], [], []>, precision = #tpu.contract_precision<fp32>, transpose_lhs_hint = false} : vector<34x128xf32>, vector<128x8xf32>, vector<34x8xf32> -> vector<34x8xf32>
    %slice3A_34 = vector.extract_strided_slice %dot_general3A_33 {offsets = [0, 0], sizes = [17, 8], strides = [1, 1]} : vector<34x8xf32> to vector<17x8xf32>
    %slice3A_35 = vector.extract_strided_slice %dot_general3A_33 {offsets = [17, 0], sizes = [17, 8], strides = [1, 1]} : vector<34x8xf32> to vector<17x8xf32>
    %iota3A_36 = tpu.iota {dimensions = array<i32: 0>} : vector<17x8xi32>
    %mul3A = arith.constant 8 : i32
    %mul3A_37 = vector.broadcast %mul3A : i32 to vector<17x8xi32>
    %mul3A_38 = arith.muli %iota3A_36, %mul3A_37 : vector<17x8xi32>
    %iota3A_39 = tpu.iota {dimensions = array<i32: 1>} : vector<17x8xi32>
    %add3A_40 = arith.addi %mul3A_38, %iota3A_39 : vector<17x8xi32>
    %jit3A_41 = arith.constant 33 : i32
    %eq3A_42 = arith.constant 0 : i32
    %eq3A_43 = arith.cmpi eq, %jit3A_41, %eq3A_42 : i32
    %jit3A_44 = arith.constant 1 : i32
    %select_n3A_45 = arith.select %eq3A_43, %jit3A_44, %jit3A_41 : i32
    %rem3A_46 = vector.broadcast %select_n3A_45 : i32 to vector<17x8xi32>
    %rem3A_47 = arith.remsi %add3A_40, %rem3A_46 : vector<17x8xi32>
    %ne3A_48 = arith.constant 0 : i32
    %ne3A_49 = vector.broadcast %ne3A_48 : i32 to vector<17x8xi32>
    %ne3A_50 = arith.cmpi ne, %rem3A_47, %ne3A_49 : vector<17x8xi32>
    %lt3A = arith.constant 0 : i32
    %lt3A_51 = vector.broadcast %lt3A : i32 to vector<17x8xi32>
    %lt3A_52 = arith.cmpi slt, %rem3A_47, %lt3A_51 : vector<17x8xi32>
    %lt3A_53 = arith.constant 0 : i32
    %lt3A_54 = arith.cmpi slt, %select_n3A_45, %lt3A_53 : i32
    %ne3A_55 = vector.broadcast %lt3A_54 : i1 to vector<17x8xi1>
    %ne3A_56 = vector.broadcast %ne3A_55 : vector<17x8xi1> to vector<17x8xi1>
    %ne3A_57 = arith.xori %lt3A_52, %ne3A_56 : vector<17x8xi1>
    %and3A_58 = arith.andi %ne3A_57, %ne3A_50 : vector<17x8xi1>
    %add3A_59 = vector.broadcast %select_n3A_45 : i32 to vector<17x8xi32>
    %add3A_60 = arith.addi %rem3A_47, %add3A_59 : vector<17x8xi32>
    %select_n3A_61 = arith.select %and3A_58, %add3A_60, %rem3A_47 : vector<17x8xi1>, vector<17x8xi32>
    %lt3A_62 = arith.constant 132 : i32
    %lt3A_63 = vector.broadcast %lt3A_62 : i32 to vector<17x8xi32>
    %lt3A_64 = arith.cmpi slt, %add3A_40, %lt3A_63 : vector<17x8xi32>
    %ge3A = arith.constant 1 : i32
    %ge3A_65 = vector.broadcast %ge3A : i32 to vector<17x8xi32>
    %ge3A_66 = arith.cmpi sge, %select_n3A_61, %ge3A_65 : vector<17x8xi32>
    %and3A_67 = arith.andi %lt3A_64, %ge3A_66 : vector<17x8xi1>
    %le3A = arith.constant 32 : i32
    %le3A_68 = vector.broadcast %le3A : i32 to vector<17x8xi32>
    %le3A_69 = arith.cmpi sle, %select_n3A_61, %le3A_68 : vector<17x8xi32>
    %and3A_70 = arith.andi %and3A_67, %le3A_69 : vector<17x8xi1>
    %jit3A_71 = arith.constant 33 : i32
    %div3A_72 = vector.broadcast %jit3A_71 : i32 to vector<17x8xi32>
    %div3A_73 = arith.divsi %add3A_40, %div3A_72 : vector<17x8xi32>
    %sign3A_74 = arith.constant 0 : i32
    %sign3A_75 = vector.broadcast %sign3A_74 : i32 to vector<17x8xi32>
    %sign3A_76 = arith.cmpi sgt, %add3A_40, %sign3A_75 : vector<17x8xi32>
    %sign3A_77 = arith.extui %sign3A_76 : vector<17x8xi1> to vector<17x8xi32>
    %sign3A_78 = arith.constant 0 : i32
    %sign3A_79 = vector.broadcast %sign3A_78 : i32 to vector<17x8xi32>
    %sign3A_80 = arith.cmpi slt, %add3A_40, %sign3A_79 : vector<17x8xi32>
    %sign3A_81 = arith.extui %sign3A_80 : vector<17x8xi1> to vector<17x8xi32>
    %sign3A_82 = arith.subi %sign3A_77, %sign3A_81 : vector<17x8xi32>
    %sign3A_83 = arith.constant 0 : i32
    %sign3A_84 = arith.cmpi sgt, %jit3A_71, %sign3A_83 : i32
    %sign3A_85 = arith.extui %sign3A_84 : i1 to i32
    %sign3A_86 = arith.constant 0 : i32
    %sign3A_87 = arith.cmpi slt, %jit3A_71, %sign3A_86 : i32
    %sign3A_88 = arith.extui %sign3A_87 : i1 to i32
    %sign3A_89 = arith.subi %sign3A_85, %sign3A_88 : i32
    %ne3A_90 = vector.broadcast %sign3A_89 : i32 to vector<17x8xi32>
    %ne3A_91 = arith.cmpi ne, %sign3A_82, %ne3A_90 : vector<17x8xi32>
    %rem3A_92 = vector.broadcast %jit3A_71 : i32 to vector<17x8xi32>
    %rem3A_93 = arith.remsi %add3A_40, %rem3A_92 : vector<17x8xi32>
    %ne3A_94 = arith.constant 0 : i32
    %ne3A_95 = vector.broadcast %ne3A_94 : i32 to vector<17x8xi32>
    %ne3A_96 = arith.cmpi ne, %rem3A_93, %ne3A_95 : vector<17x8xi32>
    %and3A_97 = arith.andi %ne3A_91, %ne3A_96 : vector<17x8xi1>
    %sub3A_98 = arith.constant 1 : i32
    %sub3A_99 = vector.broadcast %sub3A_98 : i32 to vector<17x8xi32>
    %sub3A_100 = arith.subi %div3A_73, %sub3A_99 : vector<17x8xi32>
    %select_n3A_101 = arith.select %and3A_97, %sub3A_100, %div3A_73 : vector<17x8xi1>, vector<17x8xi32>
    %gt3A = arith.constant 0.000000e+00 : f32
    %gt3A_102 = vector.broadcast %gt3A : f32 to vector<17x8xf32>
    %gt3A_103 = arith.cmpf ogt, %slice3A_34, %gt3A_102 : vector<17x8xf32>
    %jit3A_104 = arith.constant 1.000000e+00 : f32
    %broadcast_in_dim3A_105 = vector.broadcast %jit3A_104 : f32 to vector<17x8xf32>
    %select_n3A_106 = arith.select %gt3A_103, %slice3A_34, %broadcast_in_dim3A_105 : vector<17x8xi1>, vector<17x8xf32>
    %log3A = math.log %select_n3A_106 : vector<17x8xf32>
    %gt3A_107 = arith.constant 0.000000e+00 : f32
    %gt3A_108 = vector.broadcast %gt3A_107 : f32 to vector<17x8xf32>
    %gt3A_109 = arith.cmpf ogt, %slice3A_34, %gt3A_108 : vector<17x8xf32>
    %and3A_110 = arith.andi %and3A_70, %gt3A_109 : vector<17x8xi1>
    %sub3A_111 = arith.subf %log3A, %slice3A_35 : vector<17x8xf32>
    %mul3A_112 = arith.mulf %slice3A_34, %sub3A_111 : vector<17x8xf32>
    %jit3A_113 = arith.constant 0.000000e+00 : f32
    %broadcast_in_dim3A_114 = vector.broadcast %jit3A_113 : f32 to vector<17x8xf32>
    %select_n3A_115 = arith.select %and3A_110, %mul3A_112, %broadcast_in_dim3A_114 : vector<17x8xi1>, vector<17x8xf32>
    %eq3A_116 = arith.constant 0 : i32
    %eq3A_117 = vector.broadcast %eq3A_116 : i32 to vector<17x8xi32>
    %eq3A_118 = arith.cmpi eq, %select_n3A_101, %eq3A_117 : vector<17x8xi32>
    %jit3A_119 = arith.constant 0.000000e+00 : f32
    %broadcast_in_dim3A_120 = vector.broadcast %jit3A_119 : f32 to vector<17x8xf32>
    %select_n3A_121 = arith.select %eq3A_118, %select_n3A_115, %broadcast_in_dim3A_120 : vector<17x8xi1>, vector<17x8xf32>
    %reduce_sum3A = vector.shape_cast %select_n3A_121 : vector<17x8xf32> to vector<1x17x8xf32>
    %reduce_sum3A_122 = arith.constant dense<0.000000e+00> : vector<1xf32>
    %reduce_sum3A_123 = vector.multi_reduction <add>, %reduce_sum3A, %reduce_sum3A_122 [1, 2] : vector<1x17x8xf32> to vector<1xf32>
    %reduce_sum3A_124 = vector.shape_cast %reduce_sum3A_123 : vector<1xf32> to vector<1x1x1xf32>
    %reduce_sum3A_125 = vector.extract %reduce_sum3A_124[0, 0, 0] : f32 from vector<1x1x1xf32>
    %div3A_126 = arith.constant 3.200000e+01 : f32
    %div3A_127 = arith.divf %reduce_sum3A_125, %div3A_126 : f32
    %add3A_128 = arith.constant 0.000000e+00 : f32
    %add3A_129 = arith.constant 0.000000e+00 : f32
    %add3A_130 = arith.addf %add3A_128, %add3A_129 : f32
    %eq3A_131 = arith.constant 1 : i32
    %eq3A_132 = vector.broadcast %eq3A_131 : i32 to vector<17x8xi32>
    %eq3A_133 = arith.cmpi eq, %select_n3A_101, %eq3A_132 : vector<17x8xi32>
    %jit3A_134 = arith.constant 0.000000e+00 : f32
    %broadcast_in_dim3A_135 = vector.broadcast %jit3A_134 : f32 to vector<17x8xf32>
    %select_n3A_136 = arith.select %eq3A_133, %select_n3A_115, %broadcast_in_dim3A_135 : vector<17x8xi1>, vector<17x8xf32>
    %reduce_sum3A_137 = vector.shape_cast %select_n3A_136 : vector<17x8xf32> to vector<1x17x8xf32>
    %reduce_sum3A_138 = arith.constant dense<0.000000e+00> : vector<1xf32>
    %reduce_sum3A_139 = vector.multi_reduction <add>, %reduce_sum3A_137, %reduce_sum3A_138 [1, 2] : vector<1x17x8xf32> to vector<1xf32>
    %reduce_sum3A_140 = vector.shape_cast %reduce_sum3A_139 : vector<1xf32> to vector<1x1x1xf32>
    %reduce_sum3A_141 = vector.extract %reduce_sum3A_140[0, 0, 0] : f32 from vector<1x1x1xf32>
    %div3A_142 = arith.constant 3.200000e+01 : f32
    %div3A_143 = arith.divf %reduce_sum3A_141, %div3A_142 : f32
    %add3A_144 = arith.constant 0.000000e+00 : f32
    %add3A_145 = arith.addf %add3A_130, %add3A_144 : f32
    %eq3A_146 = arith.constant 2 : i32
    %eq3A_147 = vector.broadcast %eq3A_146 : i32 to vector<17x8xi32>
    %eq3A_148 = arith.cmpi eq, %select_n3A_101, %eq3A_147 : vector<17x8xi32>
    %jit3A_149 = arith.constant 0.000000e+00 : f32
    %broadcast_in_dim3A_150 = vector.broadcast %jit3A_149 : f32 to vector<17x8xf32>
    %select_n3A_151 = arith.select %eq3A_148, %select_n3A_115, %broadcast_in_dim3A_150 : vector<17x8xi1>, vector<17x8xf32>
    %reduce_sum3A_152 = vector.shape_cast %select_n3A_151 : vector<17x8xf32> to vector<1x17x8xf32>
    %reduce_sum3A_153 = arith.constant dense<0.000000e+00> : vector<1xf32>
    %reduce_sum3A_154 = vector.multi_reduction <add>, %reduce_sum3A_152, %reduce_sum3A_153 [1, 2] : vector<1x17x8xf32> to vector<1xf32>
    %reduce_sum3A_155 = vector.shape_cast %reduce_sum3A_154 : vector<1xf32> to vector<1x1x1xf32>
    %reduce_sum3A_156 = vector.extract %reduce_sum3A_155[0, 0, 0] : f32 from vector<1x1x1xf32>
    %div3A_157 = arith.constant 3.200000e+01 : f32
    %div3A_158 = arith.divf %reduce_sum3A_156, %div3A_157 : f32
    %add3A_159 = arith.constant 0.000000e+00 : f32
    %add3A_160 = arith.addf %add3A_145, %add3A_159 : f32
    %eq3A_161 = arith.constant 3 : i32
    %eq3A_162 = vector.broadcast %eq3A_161 : i32 to vector<17x8xi32>
    %eq3A_163 = arith.cmpi eq, %select_n3A_101, %eq3A_162 : vector<17x8xi32>
    %jit3A_164 = arith.constant 0.000000e+00 : f32
    %broadcast_in_dim3A_165 = vector.broadcast %jit3A_164 : f32 to vector<17x8xf32>
    %select_n3A_166 = arith.select %eq3A_163, %select_n3A_115, %broadcast_in_dim3A_165 : vector<17x8xi1>, vector<17x8xf32>
    %reduce_sum3A_167 = vector.shape_cast %select_n3A_166 : vector<17x8xf32> to vector<1x17x8xf32>
    %reduce_sum3A_168 = arith.constant dense<0.000000e+00> : vector<1xf32>
    %reduce_sum3A_169 = vector.multi_reduction <add>, %reduce_sum3A_167, %reduce_sum3A_168 [1, 2] : vector<1x17x8xf32> to vector<1xf32>
    %reduce_sum3A_170 = vector.shape_cast %reduce_sum3A_169 : vector<1xf32> to vector<1x1x1xf32>
    %reduce_sum3A_171 = vector.extract %reduce_sum3A_170[0, 0, 0] : f32 from vector<1x1x1xf32>
    %div3A_172 = arith.constant 3.200000e+01 : f32
    %div3A_173 = arith.divf %reduce_sum3A_171, %div3A_172 : f32
    %add3A_174 = arith.constant 0.000000e+00 : f32
    %add3A_175 = arith.addf %add3A_160, %add3A_174 : f32
    %iota3A_176 = tpu.iota {dimensions = array<i32: 1>} : vector<1x128xi32>
    %eq3A_177 = arith.constant 0 : i32
    %eq3A_178 = vector.broadcast %eq3A_177 : i32 to vector<1x128xi32>
    %eq3A_179 = arith.cmpi eq, %iota3A_176, %eq3A_178 : vector<1x128xi32>
    %jit3A_180 = arith.constant 0.000000e+00 : f32
    %broadcast_in_dim3A_181 = vector.broadcast %add3A_175 : f32 to vector<1x128xf32>
    %broadcast_in_dim3A_182 = vector.broadcast %jit3A_180 : f32 to vector<1x128xf32>
    %select_n3A_183 = arith.select %eq3A_179, %broadcast_in_dim3A_181, %broadcast_in_dim3A_182 : vector<1x128xi1>, vector<1x128xf32>
    %eq3A_184 = arith.constant 1 : i32
    %eq3A_185 = vector.broadcast %eq3A_184 : i32 to vector<1x128xi32>
    %eq3A_186 = arith.cmpi eq, %iota3A_176, %eq3A_185 : vector<1x128xi32>
    %broadcast_in_dim3A_187 = vector.broadcast %div3A_127 : f32 to vector<1x128xf32>
    %select_n3A_188 = arith.select %eq3A_186, %broadcast_in_dim3A_187, %select_n3A_183 : vector<1x128xi1>, vector<1x128xf32>
    %eq3A_189 = arith.constant 2 : i32
    %eq3A_190 = vector.broadcast %eq3A_189 : i32 to vector<1x128xi32>
    %eq3A_191 = arith.cmpi eq, %iota3A_176, %eq3A_190 : vector<1x128xi32>
    %broadcast_in_dim3A_192 = vector.broadcast %div3A_143 : f32 to vector<1x128xf32>
    %select_n3A_193 = arith.select %eq3A_191, %broadcast_in_dim3A_192, %select_n3A_188 : vector<1x128xi1>, vector<1x128xf32>
    %eq3A_194 = arith.constant 3 : i32
    %eq3A_195 = vector.broadcast %eq3A_194 : i32 to vector<1x128xi32>
    %eq3A_196 = arith.cmpi eq, %iota3A_176, %eq3A_195 : vector<1x128xi32>
    %broadcast_in_dim3A_197 = vector.broadcast %div3A_158 : f32 to vector<1x128xf32>
    %select_n3A_198 = arith.select %eq3A_196, %broadcast_in_dim3A_197, %select_n3A_193 : vector<1x128xi1>, vector<1x128xf32>
    %eq3A_199 = arith.constant 4 : i32
    %eq3A_200 = vector.broadcast %eq3A_199 : i32 to vector<1x128xi32>
    %eq3A_201 = arith.cmpi eq, %iota3A_176, %eq3A_200 : vector<1x128xi32>
    %broadcast_in_dim3A_202 = vector.broadcast %div3A_173 : f32 to vector<1x128xf32>
    %select_n3A_203 = arith.select %eq3A_201, %broadcast_in_dim3A_202, %select_n3A_198 : vector<1x128xi1>, vector<1x128xf32>
    %swap3A = arith.constant 0 : index
    %swap3A_204 = arith.constant 0 : index
    %swap3A_205 = vector.load %arg1[%swap3A, %swap3A_204] : memref<1x128xf32, #tpu.memory_space<vmem>>, vector<1x128xf32>
    tpu.vector_store %arg1[%swap3A, %swap3A_204], %select_n3A_203 {strides = array<i32>} : memref<1x128xf32, #tpu.memory_space<vmem>>, vector<1x128xf32>,
    return
  }
}

</mosaic_0001>

<sc_bundles>
// kernel: kernel.4.cloned.1.call-start
scs
__scs_entry_jumppad:
0x0: {  	(pc) =	sbr.rel $0x88, $3  }
0x1: {  	(tag) =	ssettag $0x0;
	lr =	simm.s32 $0x1  }
0x2: {  	[smem:$0x3F9E] =	sst lr;
	_ =	strace $0xD0000000  }
0x3: {  	_ = 	snop  }
0x4: {  	_ = 	snop  }
0x5: {  	_ = 	snop  }
0x6: {  	_ = 	snop  }
0x7: {  	_ = 	snop  }
__scs_overlays_trampoline_lowered:
0x8: {  	[smem:$0x3FAD] =	sst s0  }
0x9: {  	[smem:$0x3FAE] =	sst s1  }
0xa: {  	[smem:$0x3FAF] =	sst s2  }
0xb: {  	[smem:$0x3FB0] =	sst s3  }
0xc: {  	[smem:$0x3FB1] =	sst s4  }
0xd: {  	[smem:$0x3FB2] =	sst s5  }
0xe: {  	[smem:$0x3FB3] =	sst s6  }
0xf: {  	[smem:$0x3FB4] =	sst s7  }
0x10: {  	[smem:$0x3FB5] =	sst s8  }
0x11: {  	[smem:$0x3FB6] =	sst s9;
	s0 =	simm.s32 @!p0 $0x0  }
0x12: {  	s1 =	sld [smem:$0x3F9C];
	s0 =	simm.s32 @p0 $0x1  }
0x13: {  	[smem:$0x3FB7] =	sst s0;
	s0 =	simm.s32 @!p1 $0x0  }
0x14: {  	s2 =	sld [smem:$0x3F9B];
	s0 =	simm.s32 @p1 $0x1  }
0x15: {  	[smem:$0x3FB8] =	sst s0;
	s0 =	simm.s32 @!p2 $0x0  }
0x16: {  	s3 =	sld [smem:$0x3FDB];
	s0 =	simm.s32 @p2 $0x1  }
0x17: {  	s4 =	simm.s32 $0x1BF5;
	[smem:$0x3FBA] =	sst s0  }
0x18: {  	s0 =	sld [smem:$0x3F9D];
	_ =	swait.ge [sflag:s4], $0x0  }
0x19: {  	s7 =	sld [smem:$0x3F9E]  }
0x1a: {  	s8 =	sadd.s32 $0xFFFFE003, lr  }
0x1b: {  	s9 =	sadd.s32 $0xFFFFFEF7, lr;
	s5 =	simm.s32 $0xFFFFFFFF;
	p2 =	slt.u32 s8, $0xFFFFF086  }
0x1c: {  	p1 =	slt.u32 s9, $0xF7A;
	s5 =	simm.s32 @!p2 $0x0  }
0x1d: {  	s5 =	simm.s32 @p1 $0x1;
	p0 =	seq.s32 s7, s2  }
0x1e: {  	s7 =	smul.u32 @!p0 $0xF7A, s2;
	p2 =	seq.s32 @!p0 s5, $0x0  }
0x1f: {  	s9 =	smul.u32 $0xF7A, s1;
	s8 =	simm.s32 @!p0 $0x1BF5;
	p2 =	por !p2, p0  }
0x20: {  	[sflag:s8] =	ssyncset.s32 @!p0 $0xFFFFF086;
	s6 =	sadd.s32 @!p0 s3, s7;
	s7 =	simm.s32 @!p0 $0x108  }
0x21: {  	s3 =	sadd.s32 s3, s9;
	s6 =	sadd.s32 @!p0 $0x88, s6;
	s7 =	simm.s32 @p2 $0x1082  }
0x22: {  	[simem:s7], [sflag:s8] =	dma.local @!p0 [hbm:s6], $0xF7A  }
0x23: {  	s9 =	sor.u32 $0xD0000000, s2;
	s6 =	simm.s32 $0x108;
	_ =	swait.ge @!p0 [sflag:s8], $0x0  }
0x24: {  	s3 =	sadd.s32 $0x88, s3;
	s6 =	simm.s32 @!p1 $0x1082;
	[sflag:s4] =	ssyncset.s32 $0xFFFFF086  }
0x25: {  	[simem:s6], [sflag:s4] =	dma.local [hbm:s3], $0xF7A  }
0x26: {  	[smem:$0x3F9E] =	sst s1;
	(tag) =	ssettag s2;
	_ =	strace s9  }
0x27: {  	s1 =	sld [smem:$0x3FAE]  }
0x28: {  	s2 =	sld [smem:$0x3FAF]  }
0x29: {  	s4 =	sld [smem:$0x3FB1]  }
0x2a: {  	p0 =	seq.s32 s5, $0x0;
	s5 =	sld [smem:$0x3FB2]  }
0x2b: {  	s6 =	sld [smem:$0x3FB3]  }
0x2c: {  	s7 =	sld [smem:$0x3FB4]  }
0x2d: {  	s3 =	simm.s32 $0x108;
	s8 =	sld [smem:$0x3FB5]  }
0x2e: {  	s3 =	simm.s32 @!p0 $0x1082;
	s9 =	sld [smem:$0x3FB6]  }
0x2f: {  	lr =	sadd.s32 s0, s3;
	s0 =	sld [smem:$0x3FAD]  }
0x30: {  	s3 =	sld [smem:$0x3FB0]  }
0x31: {  	[smem:$0x3FB9] =	sst s10  }
0x32: {  	s10 =	sld [smem:$0x3FB7];
	_ =	sdelay $0x3  }
0x33: {  	p0 =	seq.s32 s10, $0x1;
	s10 =	sld [smem:$0x3FB9];
	_ =	sdelay $0x3  }
0x34: {  	[smem:$0x3FB9] =	sst s10  }
0x35: {  	s10 =	sld [smem:$0x3FB8];
	_ =	sdelay $0x3  }
0x36: {  	p1 =	seq.s32 s10, $0x1;
	s10 =	sld [smem:$0x3FB9];
	_ =	sdelay $0x3  }
0x37: {  	[smem:$0x3FB9] =	sst s10  }
0x38: {  	s10 =	sld [smem:$0x3FBA]  }
0x39: {  	_ = 	snop;
	(pc) =	sbr.ind lr, $3  }
0x3a: {  	_ = 	snop  }
0x3b: {  	_ = 	snop  }
0x3c: {  	p2 =	seq.s32 s10, $0x1;
	s10 =	sld [smem:$0x3FB9]  }
0x3d: {  	_ =	shalt  }
0x3e: {  	_ =	shalt  }
0x3f: {  	_ =	shalt  }
0x40: {  	_ =	shalt  }
0x41: {  	_ =	shalt  }
0x42: {  	_ =	shalt  }
0x43: {  	_ =	shalt  }
0x44: {  	_ =	shalt  }
0x45: {  	_ =	shalt  }
0x46: {  	_ =	shalt  }
0x47: {  	_ =	shalt  }
0x48: {  	_ =	shalt  }
0x49: {  	_ =	shalt  }
0x4a: {  	_ =	shalt  }
0x4b: {  	_ =	shalt  }
0x4c: {  	_ =	shalt  }
0x4d: {  	_ =	shalt  }
0x4e: {  	_ =	shalt  }
0x4f: {  	_ =	shalt  }
0x50: {  	_ =	shalt  }
0x51: {  	_ =	shalt  }
0x52: {  	_ =	shalt  }
0x53: {  	_ =	shalt  }
0x54: {  	_ =	shalt  }
0x55: {  	_ =	shalt  }
0x56: {  	_ =	shalt  }
0x57: {  	_ =	shalt  }
0x58: {  	_ =	shalt  }
0x59: {  	_ =	shalt  }
0x5a: {  	_ =	shalt  }
0x5b: {  	_ =	shalt  }
0x5c: {  	_ =	shalt  }
0x5d: {  	_ =	shalt  }
0x5e: {  	_ =	shalt  }
0x5f: {  	_ =	shalt  }
0x60: {  	_ =	shalt  }
0x61: {  	_ =	shalt  }
0x62: {  	_ =	shalt  }
0x63: {  	_ =	shalt  }
0x64: {  	_ =	shalt  }
0x65: {  	_ =	shalt  }
0x66: {  	_ =	shalt  }
0x67: {  	_ =	shalt  }
0x68: {  	_ =	shalt  }
0x69: {  	_ =	shalt  }
0x6a: {  	_ =	shalt  }
0x6b: {  	_ =	shalt  }
0x6c: {  	_ =	shalt  }
0x6d: {  	_ =	shalt  }
0x6e: {  	_ =	shalt  }
0x6f: {  	_ =	shalt  }
0x70: {  	_ =	shalt  }
0x71: {  	_ =	shalt  }
0x72: {  	_ =	shalt  }
0x73: {  	_ =	shalt  }
0x74: {  	_ =	shalt  }
0x75: {  	_ =	shalt  }
0x76: {  	_ =	shalt  }
0x77: {  	_ =	shalt  }
0x78: {  	_ =	shalt  }
0x79: {  	_ =	shalt  }
0x7a: {  	_ =	shalt  }
0x7b: {  	_ =	shalt  }
0x7c: {  	_ =	shalt  }
0x7d: {  	_ =	shalt  }
0x7e: {  	_ =	shalt  }
0x7f: {  	_ =	shalt  }
0x80: {  	_ =	shalt  }
0x81: {  	_ =	shalt  }
0x82: {  	_ =	shalt  }
0x83: {  	_ =	shalt  }
0x84: {  	_ =	shalt  }
0x85: {  	_ =	shalt  }
0x86: {  	_ =	shalt  }
0x87: {  	_ =	shalt  }
.Lfunc_end0:
.L_simem_size_0:
called_computation_lowered:
.L_overlay_start_0:
0x88: {  	s2 =	sld [smem:$0x3FD9]  }
0x89: {  	s3 =	sld [smem:$0x3FFE];
	_ =	sdelay $0x1  }
0x8a: {  	s1 =	srdreg.scid  }
0x8b: {  	s0 =	sand.u32 $0x1, s1  }
0x8c: {  	s17 =	sshll.u32 s0, $0xA;
	s2 =	sadd.s32 s3, s2  }
0x8d: {  	s2 =	sadd.s32 s2, s17  }
0x8e: {  	[smem:$0x3FC5] =	sst s2  }
0x8f: {  	_ = 	snop  }
0x90: {  	s2 =	sld [smem:$0x3FC9]  }
0x91: {  	s18 =	sld [smem:$0x3FC8]  }
0x92: {  	s4 =	sld [smem:$0x3FC7];
	(tm) =	ssettm $0x1  }
0x93: {  	s5 =	sld [smem:$0x3FFB];
	_ =	sdelay $0x3  }
0x94: {  	_ =	strace s5  }
0x95: {  	s5 =	sld [smem:$0x3FFC];
	_ =	sdelay $0x3  }
0x96: {  	_ =	strace s5  }
0x97: {  	s5 =	sld [smem:$0x3FFD];
	_ =	sdelay $0x3  }
0x98: {  	_ =	strace s5  }
0x99: {  	_ =	strace $0x8FFFFFFF  }
0x9a: {  	s19 =	sld [smem:$0x3FDB];
	_ =	sdelay $0x1  }
0x9b: {  	s6 =	simm.s32 $_scs_section_size  }
0x9c: {  	s7 =	simm.s32 $_size__tile_overlayer_lowered;
	s8 =	simm.s32 $_tile_overlayer_lowered  }
0x9d: {  	s22 =	simm.s32 $0x1BFF;
	s21 =	sshll.u32 s8, $0x1;
	s5 =	sadd.s32 s6, s19  }
0x9e: {  	s9 =	simm.s32 $0x0;
	s20 =	sshll.u32 s7, $0x1;
	s7 =	sadd.s32 s21, s5  }
0x9f: {  	[timem:s9], [sflag:s22] =	dma.local [hbm:s7], s20  }
0xa0: {  	_ =	swait.ge [sflag:s22], s20  }
0xa1: {  	s6 =	ssub.s32 $0x0, s20;
	[sflag:s22] =	ssyncset.done $0x0  }
0xa2: {  	[sflag:s22] =	ssyncadd.s32 s6;
	_ =	sdelay $0x1  }
0xa3: {  	s23 =	simm.s32 $0x1B8B  }
0xa4: {  	_ =	swait.ge [sflag:s23], $0x1  }
0xa5: {  	[sflag:s23] =	ssyncset.done $0x0  }
0xa6: {  	s25 =	simm.s32 $0x1B8E;
	s24 =	sld [smem:$0x3FFE];
	[sflag:s23] =	ssyncadd.s32 $0xFFFFFFFF  }
0xa7: {  	s26 =	simm.s32 $execute0_lowered;
	[smem:$0x3FD2] =	sst s25  }
0xa8: {  	s7 =	sshll.u32 s26, $0x1;
	_ =	strace $0x80000046;
	[dreg:$0x1] =	wrdreg $0xFFFFFFFF  }
0xa9: {  	s28 =	simm.s32 $_size_execute0_lowered;
	s5 =	sadd.s32 s5, s7;
	[dreg:$0x0] =	wrdreg $0x0  }
0xaa: {  	s7 =	sshll.u32 s28, $0x1;
	[dreg:$0x2] =	wrdreg s5  }
0xab: {  	[dreg:$0x3] =	wrdreg s7  }
0xac: {  	[dreg:$0x4] =	wrdreg $0xC0  }
0xad: {  	_ =	task [dreg:s9], $0x5FFFF  }
0xae: {  	[dreg:$0x1] =	wrdreg $0xFFFFFFFF  }
0xaf: {  	[dreg:$0x0] =	wrdreg $0x60  }
0xb0: {  	[dreg:$0x2] =	wrdreg s2  }
0xb1: {  	[dreg:$0x3] =	wrdreg s4  }
0xb2: {  	[dreg:$0x4] =	wrdreg s18  }
0xb3: {  	[dreg:$0x5] =	wrdreg s24  }
0xb4: {  	[dreg:$0x6] =	wrdreg $0x194000  }
0xb5: {  	[dreg:$0x7] =	wrdreg $0x9  }
0xb6: {  	_ =	task.clear_ibuf [dreg:s9], $0x8FFFF;
	_ =	strace $0x90000046  }
0xb7: {  	s29 =	simm.s32 $0x9;
	_ =	strace $0x80000048  }
0xb8: {  	_ =	swait.ge [sflag:s29], $0x1  }
0xb9: {  	[sflag:s29] =	ssyncadd.s32 $0xFFFFFFFF  }
0xba: {  	_ =	strace $0x90000048  }
0xbb: {  	_ =	sfence  }
0xbc: {  	s30 =	sld [smem:$0x0];
	_ =	sdelay $0x2  }
0xbd: {  	s31 =	sshll.u32 s1, $0xD;
	s1 =	sshrl.u32 s1, $0x2  }
0xbe: {  	s3 =	sand.u32 $0x4000, s31;
	s1 =	sadd.s32 s1, s30  }
0xbf: {  	s0 =	sor.u32 s3, s0;
	s1 =	sshll.u32 s1, $0x11  }
0xc0: {  	s0 =	sor.u32 s1, s0  }
0xc1: {  	s0 =	sadd.s32 $0x8F2B, s0  }
0xc2: {  	[sflag:s0] =	ssyncadd.remote.s32 $0x1  }
0xc3: {  	_ =	sfence.sel $0xFFFF  }
0xc4: {  	[dreg:$0x0] =	wrdreg $0xFFFFFFFF;
	(pc) =	sbr.abs _section_cstart, $3  }
0xc5: {  	[dreg:$0x1] =	wrdreg $0xFFFFFFFF  }
0xc6: {  	_ =	task.clear_ibuf [dreg:s9], $0x2FFFF;
	_ =	strace $0x9FFFFFFF  }
0xc7: {  	(tm) =	ssettm $0x7FFFFFFF  }
tec
execute0_lowered:
.L_overlay_start_1:
0x0: {  	(tag) =	ssettag $0x1  }
0x1: {  	s7 =	rddreg [dreg:$0x0]  }
0x2: {  	s8 =	rddreg [dreg:$0x1]  }
0x3: {  	s9 =	rddreg [dreg:$0x2]  }
0x4: {  	s4 =	rddreg [dreg:$0x3]  }
0x5: {  	s1 =	rddreg [dreg:$0x4]  }
0x6: {  	s0 =	rddreg [dreg:$0x5];
	s2 =	simm.s32 $0x0  }
0x7: {  	s3 =	srdreg.scid;
	s13 =	simm.s32 $0x10000;
	s14 =	simm.s32 $0x4000  }
0x8: {  	s15 =	simm.s32 $0xC000;
	s16 =	simm.s32 $0x14000;
	s17 =	simm.s32 $0x19510  }
0x9: {  	s18 =	simm.s32 $0x1;
	s19 =	simm.s32 $0x18000;
	s20 =	simm.s32 $0x2  }
0xa: {  	s21 =	simm.s32 $0x0;
	[smem:$0x7FF] =	sst s2;
	s5 =	sand.u32 $0x1, s3  }
0xb: {  	s3 =	stileid.u32;
	_ =	strace $0x80000047;
	s6 =	smul.u32 $0x280, s5  }
0xc: {  	s10 =	ssub.s32 $0x2, s5;
	s11 =	sshll.u32 s3, $0xD;
	s5 =	sshll.u32 s5, $0xC  }
0xd: {  	p0 =	seq.s32 s3, $0x0;
	s28 =	sshrl.u32 s10, $0x1;
	s29 =	sor.u32 s5, s11  }
0xe: {  	s12 =	sadd.s32 s6, s4;
	s30 =	ssub.s32 s10, s28;
	s4 =	sadd.s32 s7, s29  }
0xf: {  	s31 =	sor.u32 $0x800, s29;
	s5 =	sadd.s32 s8, s29;
	s6 =	sadd.s32 s9, s29  }
0x10: {  	v0 =	vlaneseq.u32;
	v3 =	vimm.f32 $0.0e+00;
	s7 =	sadd.s32 s7, s31;
	s8 =	sadd.s32 s8, s31;
	s9 =	sadd.s32 s9, s31  }
0x11: {  	v4 =	vimm.f32 $1.000000000e+00;
	v1 =	vor.u32 $0x10, v0;
	v2 =	vor.u32 $0x20, v0;
	s10 =	sadd.s32 $0x600, s12;
	s11 =	smax.u32 s30, $0x1;
	s12 =	simm.s32 $0x8000  }
.LBB2_1:
0x12: {  	[tilespmem:s2], [sflag:$0x1] =	stream.linear.gather [hbm4b:s4+s2], $0x4000, $0x38;
	[tilespmem:$0x19590] =	vst v63  }
0x13: {  	_ = 	snop  }
0x14: {  	[tilespmem:s12], [sflag:$0x1] =	stream.linear.gather [hbm4b:s5+s2], $0x4000, $0x38;
	[tilespmem:$0x19590] =	vst v63  }
0x15: {  	_ = 	snop  }
0x16: {  	[tilespmem:s13], [sflag:$0x1] =	stream.linear.gather [hbm4b:s6+s2], $0x4000, $0x38;
	[tilespmem:$0x19590] =	vst v63  }
0x17: {  	_ = 	snop  }
0x18: {  	[tilespmem:s14], [sflag:$0x2] =	stream.linear.gather [hbm4b:s7+s2], $0x4000, $0x38;
	[tilespmem:$0x19590] =	vst v63  }
0x19: {  	_ = 	snop  }
0x1a: {  	[tilespmem:s15], [sflag:$0x2] =	stream.linear.gather [hbm4b:s8+s2], $0x4000, $0x38;
	[tilespmem:$0x19590] =	vst v63  }
0x1b: {  	_ = 	snop  }
0x1c: {  	[tilespmem:s16], [sflag:$0x2] =	stream.linear.gather [hbm4b:s9+s2], $0x4000, $0x38;
	[tilespmem:$0x19590] =	vst v63  }
0x1d: {  	[tilespmem:$0x19510] =	vst v0  }
0x1e: {  	[tilespmem:$0x19520] =	vst v1  }
0x1f: {  	s22 =	simm.s32 $0x0;
	s23 =	simm.s32 $0x200;
	[tilespmem:v2+s17+$0x0] =	vst.idx.msk $0x3, v2  }
.LBB2_2:
0x20: {  	p1 =	sne.s32 s23, $0x4200;
	[tilespmem:s22+$0x18070] =	vst v3  }
0x21: {  	[tilespmem:s22+$0x18000] =	vst v3  }
0x22: {  	[tilespmem:s22+$0x18010] =	vst v3  }
.Ltmp0:
0x23: {  	[tilespmem:s22+$0x18020] =	vst v3;
	(pc) =	sbr.rel @p1 .LBB2_2-.Ltmp0, $4  }
0x24: {  	[tilespmem:s22+$0x18030] =	vst v3  }
0x25: {  	[tilespmem:s22+$0x18040] =	vst v3  }
0x26: {  	[tilespmem:s22+$0x18050] =	vst v3  }
0x27: {  	[tilespmem:s22+$0x18060] =	vst v3;
	s22 =	sshra.s32 s23, $0x2;
	s23 =	sadd.s32 $0x200, s23  }
0x28: {  	[tilespmem:s22+$0x18070] =	vst v3  }
0x29: {  	[tilespmem:s22+$0x18000] =	vst v3  }
0x2a: {  	[tilespmem:s22+$0x18010] =	vst v3  }
0x2b: {  	[tilespmem:s22+$0x18020] =	vst v3  }
0x2c: {  	[tilespmem:s22+$0x18030] =	vst v3  }
0x2d: {  	[tilespmem:s22+$0x18040] =	vst v3  }
0x2e: {  	[tilespmem:s22+$0x18050] =	vst v3  }
0x2f: {  	[tilespmem:s22+$0x18060] =	vst v3  }
0x30: {  	_ =	swait.ge [sflag:s18], $0x4000  }
0x31: {  	[sflag:s18] =	ssyncset.done $0x0  }
0x32: {  	[sflag:s18] =	ssyncadd.s32 $0xFFFFC000  }
0x33: {  	_ =	swait.ge [sflag:s18], $0x4000  }
0x34: {  	[sflag:s18] =	ssyncset.done $0x0  }
0x35: {  	[sflag:s18] =	ssyncadd.s32 $0xFFFFC000  }
0x36: {  	_ =	swait.ge [sflag:s18], $0x4000  }
0x37: {  	[sflag:s18] =	ssyncset.done $0x0  }
0x38: {  	s23 =	simm.s32 $0x8020;
	[sflag:s18] =	ssyncadd.s32 $0xFFFFC000  }
0x39: {  	s22 =	simm.s32 $0x10020;
	v7 =	vld [tilespmem:s23+$0xFFFFFFF0]  }
0x3a: {  	s24 =	simm.s32 $0x20;
	v6 =	vld [tilespmem:s22+$0xFFFFFFE0]  }
0x3b: {  	v9 =	vld [tilespmem:s24+$0x0]  }
0x3c: {  	v16 =	vld [tilespmem:s23+$0x0]  }
0x3d: {  	v11 =	vld [tilespmem:s22+$0x10]  }
0x3e: {  	v10 =	vld [tilespmem:s22+$0xFFFFFFF0]  }
0x3f: {  	v13 =	vld [tilespmem:s24+$0xFFFFFFE0]  }
0x40: {  	v5 =	vld [tilespmem:s23+$0x10]  }
0x41: {  	v14 =	vld [tilespmem:s23+$0xFFFFFFE0]  }
0x42: {  	v8 =	vld [tilespmem:s22+$0x0];
	v17 =	vmul.u32 $0x210, v9  }
0x43: {  	v12 =	vld [tilespmem:s24+$0xFFFFFFF0];
	v9 =	vshll.u32 v7, $0x4;
	v10 =	vshll.u32 v10, $0x4;
	v7 =	vshll.u32 v11, $0x4  }
0x44: {  	s25 =	simm.s32 $0x60;
	s23 =	simm.s32 $0x0;
	v11 =	vld [tilespmem:s24+$0x10];
	v15 =	vmul.u32 $0x210, v13;
	v16 =	vshll.u32 v16, $0x4;
	s24 =	simm.s32 $0x8060;
	v13 =	vor.u32 v0, v17  }
.LBB2_4:
0x45: {  	v17 =	vld [tilespmem:s24+$0xFFFFFFF0];
	s23 =	sadd.s32 $0x4, s23;
	v16 =	vadd.s32 v16, v13;
	s22 =	sadd.s32 $0x40, s22  }
0x46: {  	v14 =	vshll.u32 v14, $0x4;
	v18 =	vshll.u32 v6, $0x4;
	p1 =	slt.u32 s23, $0x3FC;
	v15 =	vor.u32 v0, v15;
	v6 =	vld [tilespmem:s22+$0xFFFFFFE0]  }
0x47: {  	v19 =	vld [tilespmem:s25+$0x0];
	v14 =	vadd.s32 v14, v15;
	v15 =	vadd.s32 v15, v18  }
0x48: {  	v12 =	vmul.u32 $0x210, v12;
	v8 =	vshll.u32 v8, $0x4;
	v18 =	vld [tilespmem:s24+$0x0];
	v15 =	vadd.s32 $0x880, v15  }
0x49: {  	v8 =	vadd.s32 v13, v8;
	v20 =	vld [tilespmem:s24+$0x10]  }
0x4a: {  	v12 =	vor.u32 v0, v12;
	v21 =	vadd.s32 $0x880, v8;
	v13 =	vld [tilespmem:s22+$0x10]  }
0x4b: {  	v9 =	vadd.s32 v9, v12;
	v10 =	vadd.s32 v12, v10;
	v22 =	vld [tilespmem:s22+$0xFFFFFFF0]  }
0x4c: {  	[tilespmem:v14+s19+$0x0] =	vst.idx.add.f32.msk $0xffff, v4  }
0x4d: {  	[tilespmem:v15+s19+$0x0] =	vst.idx.add.f32.msk $0xffff, v4  }
0x4e: {  	v11 =	vmul.u32 $0x210, v11;
	v8 =	vld [tilespmem:s22+$0x0]  }
0x4f: {  	v15 =	vadd.s32 $0x880, v10;
	[tilespmem:v16+s19+$0x0] =	vst.idx.add.f32.msk $0xffff, v4  }
0x50: {  	v10 =	vshll.u32 v5, $0x4;
	v5 =	vmov v20;
	[tilespmem:v9+s19+$0x0] =	vst.idx.add.f32.msk $0xffff, v4;
	v9 =	vor.u32 v0, v11  }
0x51: {  	v14 =	vld [tilespmem:s24+$0xFFFFFFE0];
	v16 =	vadd.s32 v10, v9;
	v7 =	vadd.s32 v9, v7  }
0x52: {  	v9 =	vshll.u32 v17, $0x4;
	v10 =	vshll.u32 v22, $0x4;
	v12 =	vld [tilespmem:s25+$0xFFFFFFF0];
	v17 =	vadd.s32 $0x880, v7  }
0x53: {  	v20 =	vld [tilespmem:s25+$0xFFFFFFE0]  }
.Ltmp1:
0x54: {  	v11 =	vld [tilespmem:s25+$0x10];
	(pc) =	sbr.rel @p1 .LBB2_4-.Ltmp1, $4  }
0x55: {  	v7 =	vshll.u32 v13, $0x4;
	[tilespmem:v15+s19+$0x0] =	vst.idx.add.f32.msk $0xffff, v4  }
0x56: {  	v13 =	vmul.u32 $0x210, v19;
	[tilespmem:v16+s19+$0x0] =	vst.idx.add.f32.msk $0xffff, v4  }
0x57: {  	[tilespmem:v17+s19+$0x0] =	vst.idx.add.f32.msk $0xffff, v4  }
0x58: {  	s24 =	sadd.s32 $0x40, s24;
	v13 =	vor.u32 v0, v13;
	s25 =	sadd.s32 $0x40, s25;
	v16 =	vshll.u32 v18, $0x4;
	v15 =	vmul.u32 $0x210, v20;
	[tilespmem:v21+s19+$0x0] =	vst.idx.add.f32.msk $0xffff, v4  }
0x59: {  	_ = 	snop  }
0x5a: {  	v14 =	vshll.u32 v14, $0x4;
	v6 =	vshll.u32 v6, $0x4;
	v15 =	vor.u32 v0, v15  }
0x5b: {  	v12 =	vmul.u32 $0x210, v12;
	v14 =	vadd.s32 v14, v15;
	v6 =	vadd.s32 v15, v6  }
0x5c: {  	v11 =	vmul.u32 $0x210, v11;
	v6 =	vadd.s32 $0x880, v6  }
0x5d: {  	v49 =	vadd.s32 v16, v13;
	v12 =	vor.u32 v0, v12  }
0x5e: {  	v5 =	vshll.u32 v5, $0x4;
	v11 =	vor.u32 v0, v11;
	v9 =	vadd.s32 v9, v12  }
0x5f: {  	v10 =	vadd.s32 v12, v10;
	v5 =	vadd.s32 v5, v11  }
0x60: {  	v8 =	vshll.u32 v8, $0x4;
	v7 =	vadd.s32 v11, v7;
	v10 =	vadd.s32 $0x880, v10;
	[tilespmem:v14+s19+$0x0] =	vst.idx.add.f32.msk $0xffff, v4  }
0x61: {  	v8 =	vadd.s32 v13, v8;
	[tilespmem:v6+s19+$0x0] =	vst.idx.add.f32.msk $0xffff, v4;
	v6 =	vadd.s32 $0x880, v7  }
0x62: {  	[tilespmem:v49+s19+$0x0] =	vst.idx.add.f32.msk $0xffff, v4;
	v7 =	vadd.s32 $0x880, v8  }
0x63: {  	[tilespmem:v9+s19+$0x0] =	vst.idx.add.f32.msk $0xffff, v4  }
0x64: {  	[tilespmem:v5+s19+$0x0] =	vst.idx.add.f32.msk $0xffff, v4  }
0x65: {  	[tilespmem:v10+s19+$0x0] =	vst.idx.add.f32.msk $0xffff, v4  }
0x66: {  	[tilespmem:v6+s19+$0x0] =	vst.idx.add.f32.msk $0xffff, v4  }
0x67: {  	[tilespmem:v7+s19+$0x0] =	vst.idx.add.f32.msk $0xffff, v4  }
0x68: {  	_ =	swait.ge [sflag:s20], $0x4000  }
0x69: {  	[sflag:s20] =	ssyncset.done $0x0  }
0x6a: {  	[sflag:s20] =	ssyncadd.s32 $0xFFFFC000  }
0x6b: {  	_ =	swait.ge [sflag:s20], $0x4000  }
0x6c: {  	[sflag:s20] =	ssyncset.done $0x0  }
0x6d: {  	[sflag:s20] =	ssyncadd.s32 $0xFFFFC000  }
0x6e: {  	_ =	swait.ge [sflag:s20], $0x4000  }
0x6f: {  	[sflag:s20] =	ssyncset.done $0x0  }
0x70: {  	s22 =	simm.s32 $0x0;
	[sflag:s20] =	ssyncadd.s32 $0xFFFFC000  }
0x71: {  	v5 =	vld [tilespmem:s22+$0x4030]  }
0x72: {  	v6 =	vld [tilespmem:s22+$0xC030]  }
0x73: {  	v7 =	vld [tilespmem:s22+$0x14030]  }
0x74: {  	v8 =	vld [tilespmem:s22+$0x4000]  }
0x75: {  	v9 =	vld [tilespmem:s22+$0x4010]  }
0x76: {  	v10 =	vld [tilespmem:s22+$0x4020]  }
0x77: {  	v11 =	vld [tilespmem:s22+$0x14000]  }
0x78: {  	v50 =	vld [tilespmem:s22+$0x14010];
	v5 =	vmul.u32 $0x210, v5  }
0x79: {  	v51 =	vld [tilespmem:s22+$0xC000]  }
0x7a: {  	v52 =	vld [tilespmem:s22+$0xC010];
	v6 =	vshll.u32 v6, $0x4;
	v7 =	vshll.u32 v7, $0x4;
	v5 =	vor.u32 v0, v5  }
0x7b: {  	s31 =	simm.s32 $0x40;
	v53 =	vld [tilespmem:s22+$0xC020];
	v6 =	vadd.s32 v6, v5;
	v5 =	vadd.s32 v5, v7  }
0x7c: {  	v54 =	vld [tilespmem:s31+$0x14030];
	v5 =	vadd.s32 $0x880, v5  }
0x7d: {  	v17 =	vld [tilespmem:s31+$0x4000]  }
0x7e: {  	v18 =	vld [tilespmem:s31+$0x4010]  }
0x7f: {  	v19 =	vld [tilespmem:s31+$0x4020]  }
0x80: {  	[tilespmem:v6+s19+$0x0] =	vst.idx.add.f32.msk $0xffff, v4  }
0x81: {  	[tilespmem:v5+s19+$0x0] =	vst.idx.add.f32.msk $0xffff, v4  }
0x82: {  	v9 =	vmul.u32 $0x210, v9;
	v5 =	vld [tilespmem:s31+$0x4030]  }
0x83: {  	v58 =	vld [tilespmem:s31+$0xC020];
	v11 =	vshll.u32 v11, $0x4;
	v10 =	vmul.u32 $0x210, v10;
	v12 =	vshll.u32 v50, $0x4  }
0x84: {  	v13 =	vshll.u32 v51, $0x4;
	v16 =	vshll.u32 v54, $0x4;
	v6 =	vmul.u32 $0x210, v8;
	v8 =	vld [tilespmem:s31+$0xC030]  }
0x85: {  	v14 =	vshll.u32 v52, $0x4;
	v59 =	vmul.u32 $0x210, v19;
	v9 =	vor.u32 v0, v9;
	v7 =	vld [tilespmem:s22+$0x14020]  }
0x86: {  	v55 =	vld [tilespmem:s31+$0x14000];
	v12 =	vadd.s32 v9, v12;
	v9 =	vadd.s32 v14, v9;
	v6 =	vor.u32 v0, v6  }
0x87: {  	v56 =	vld [tilespmem:s31+$0xC000];
	v11 =	vadd.s32 v6, v11;
	v6 =	vadd.s32 v13, v6;
	v5 =	vmul.u32 $0x210, v5  }
0x88: {  	v57 =	vld [tilespmem:s31+$0xC010];
	v63 =	vshll.u32 v58, $0x4;
	v10 =	vor.u32 v0, v10;
	v11 =	vadd.s32 $0x880, v11  }
0x89: {  	v20 =	vld [tilespmem:s31+$0x14010];
	v12 =	vadd.s32 $0x880, v12;
	v8 =	vshll.u32 v8, $0x4;
	v5 =	vor.u32 v0, v5  }
0x8a: {  	v21 =	vld [tilespmem:s31+$0x14020];
	v7 =	vshll.u32 v7, $0x4;
	v8 =	vadd.s32 v8, v5;
	v5 =	vadd.s32 v5, v16  }
0x8b: {  	[tilespmem:v9+s19+$0x0] =	vst.idx.add.f32.msk $0xffff, v4;
	v22 =	vadd.s32 $0x880, v5;
	v5 =	vadd.s32 v10, v7;
	v7 =	vshll.u32 v53, $0x4  }
0x8c: {  	[tilespmem:v6+s19+$0x0] =	vst.idx.add.f32.msk $0xffff, v4;
	v15 =	vadd.s32 v7, v10;
	v7 =	vmul.u32 $0x210, v17;
	v10 =	vmul.u32 $0x210, v18  }
0x8d: {  	v9 =	vshll.u32 v57, $0x4;
	v6 =	vshll.u32 v55, $0x4;
	[tilespmem:v11+s19+$0x0] =	vst.idx.add.f32.msk $0xffff, v4;
	v11 =	vshll.u32 v56, $0x4  }
0x8e: {  	[tilespmem:v12+s19+$0x0] =	vst.idx.add.f32.msk $0xffff, v4;
	v5 =	vadd.s32 $0x880, v5;
	v60 =	vor.u32 v0, v7;
	v61 =	vor.u32 v0, v10  }
0x8f: {  	v7 =	vshll.u32 v20, $0x4;
	v10 =	vshll.u32 v21, $0x4;
	[tilespmem:v8+s19+$0x0] =	vst.idx.add.f32.msk $0xffff, v4;
	v6 =	vadd.s32 v60, v6  }
0x90: {  	v8 =	vor.u32 v0, v59;
	v7 =	vadd.s32 v61, v7;
	v9 =	vadd.s32 v9, v61  }
0x91: {  	[tilespmem:v22+s19+$0x0] =	vst.idx.add.f32.msk $0xffff, v4;
	v6 =	vadd.s32 $0x880, v6;
	v7 =	vadd.s32 $0x880, v7;
	v62 =	vadd.s32 v8, v10  }
0x92: {  	s23 =	simm.s32 $0x200;
	s22 =	simm.s32 $0x404;
	v10 =	vadd.s32 v11, v60;
	v8 =	vadd.s32 v63, v8;
	v11 =	vadd.s32 $0x880, v62;
	[tilespmem:v15+s19+$0x0] =	vst.idx.add.f32.msk $0xffff, v4  }
.LBB2_6:
0x93: {  	s24 =	sshra.s32 s23, $0x2;
	s22 =	sadd.s32 $0x4, s22;
	[tilespmem:v5+s19+$0x0] =	vst.idx.add.f32.msk $0xffff, v4;
	v5 =	vmov v11  }
0x94: {  	v11 =	vld [tilespmem:s24+$0x4030];
	p1 =	slt.u32 s22, $0x7FC  }
0x95: {  	v12 =	vld [tilespmem:s24+$0xC030]  }
0x96: {  	v13 =	vld [tilespmem:s24+$0x14030]  }
0x97: {  	v14 =	vld [tilespmem:s24+$0x4000]  }
0x98: {  	v15 =	vld [tilespmem:s24+$0x4010]  }
0x99: {  	v16 =	vld [tilespmem:s24+$0x4020];
	v11 =	vmul.u32 $0x210, v11  }
0x9a: {  	v17 =	vld [tilespmem:s24+$0x14000]  }
0x9b: {  	v12 =	vshll.u32 v12, $0x4;
	v18 =	vld [tilespmem:s24+$0x14010];
	v11 =	vor.u32 v0, v11;
	v13 =	vshll.u32 v13, $0x4  }
0x9c: {  	v14 =	vmul.u32 $0x210, v14;
	v19 =	vld [tilespmem:s24+$0x14020];
	v12 =	vadd.s32 v12, v11;
	v11 =	vadd.s32 v11, v13  }
0x9d: {  	v13 =	vld [tilespmem:s24+$0xC000];
	v15 =	vmul.u32 $0x210, v15;
	v11 =	vadd.s32 $0x880, v11  }
0x9e: {  	v14 =	vor.u32 v0, v14;
	v20 =	vld [tilespmem:s24+$0xC010];
	v16 =	vmul.u32 $0x210, v16  }
0x9f: {  	v17 =	vshll.u32 v17, $0x4;
	v15 =	vor.u32 v0, v15;
	v21 =	vld [tilespmem:s24+$0xC020]  }
0xa0: {  	v17 =	vadd.s32 v14, v17;
	v18 =	vshll.u32 v18, $0x4;
	v16 =	vor.u32 v0, v16;
	[tilespmem:v10+s19+$0x0] =	vst.idx.add.f32.msk $0xffff, v4  }
0xa1: {  	v17 =	vadd.s32 $0x880, v17;
	v10 =	vadd.s32 v15, v18;
	v18 =	vshll.u32 v19, $0x4;
	[tilespmem:v12+s19+$0x0] =	vst.idx.add.f32.msk $0xffff, v4  }
.Ltmp2:
0xa2: {  	v12 =	vshll.u32 v13, $0x4;
	v13 =	vadd.s32 $0x880, v10;
	v18 =	vadd.s32 v16, v18;
	[tilespmem:v11+s19+$0x0] =	vst.idx.add.f32.msk $0xffff, v4;
	(pc) =	sbr.rel @p1 .LBB2_6-.Ltmp2, $4  }
0xa3: {  	v10 =	vadd.s32 v12, v14;
	v12 =	vshll.u32 v20, $0x4;
	v11 =	vadd.s32 $0x880, v18;
	[tilespmem:v6+s19+$0x0] =	vst.idx.add.f32.msk $0xffff, v4;
	v6 =	vmovc v17  }
0xa4: {  	v14 =	vshll.u32 v21, $0x4;
	[tilespmem:v9+s19+$0x0] =	vst.idx.add.f32.msk $0xffff, v4;
	v9 =	vadd.s32 v12, v15  }
0xa5: {  	v12 =	vadd.s32 v14, v16;
	[tilespmem:v7+s19+$0x0] =	vst.idx.add.f32.msk $0xffff, v4;
	v7 =	vmov v13  }
0xa6: {  	s23 =	sadd.s32 $0x100, s23;
	[tilespmem:v8+s19+$0x0] =	vst.idx.add.f32.msk $0xffff, v4;
	v8 =	vmov v12  }
0xa7: {  	_ =	sdelay $0x3  }
0xa8: {  	[tilespmem:v5+s19+$0x0] =	vst.idx.add.f32.msk $0xffff, v4  }
0xa9: {  	[tilespmem:v10+s19+$0x0] =	vst.idx.add.f32.msk $0xffff, v4  }
0xaa: {  	[tilespmem:v9+s19+$0x0] =	vst.idx.add.f32.msk $0xffff, v4  }
0xab: {  	[tilespmem:v8+s19+$0x0] =	vst.idx.add.f32.msk $0xffff, v4  }
0xac: {  	[tilespmem:v6+s19+$0x0] =	vst.idx.add.f32.msk $0xffff, v4  }
0xad: {  	[tilespmem:v7+s19+$0x0] =	vst.idx.add.f32.msk $0xffff, v4  }
0xae: {  	s22 =	simm.s32 @p0 $0x18000;
	[tilespmem:v11+s19+$0x0] =	vst.idx.add.f32.msk $0xffff, v4  }
0xaf: {  	[spmem:s1] =	stream.linear.scatter @p0 [tilespmem:s22], [sflag:$0x3], $0x1100, $0x38;
	[tilespmem:$0x19590] =	vst v63  }
0xb0: {  	s22 =	simm.s32 @p0 $0x3  }
0xb1: {  	_ =	swait.ge @p0 [sflag:s22], $0x1100  }
0xb2: {  	[sflag:s22] =	ssyncset.done @p0 $0x0  }
0xb3: {  	[sflag:s22] =	ssyncadd.s32 @p0 $0xFFFFEF00  }
0xb4: {  	[bflag:$0x0] =	sbarrier.arrive @p0 $0xFFFF  }
0xb5: {  	s23 =	sshrl.u32 @p0 s1, $0x3;
	s24 =	simm.s32 @p0 $0x1C03;
	[bflag:$0x0] =	sbarrier.arrive @p0 $0xFFFF  }
0xb6: {  	[hbm:s10], [sflag:s24] =	dma.local @p0 [spmem:s23], $0x220  }
0xb7: {  	_ =	swait.ge @p0 [sflag:s22], $0x220  }
0xb8: {  	[sflag:s22] =	ssyncset.done @p0 $0x0  }
0xb9: {  	s21 =	sadd.s32 $0x1, s21;
	s23 =	simm.s32 @!p0 $0x19510;
	[sflag:s22] =	ssyncadd.s32 @p0 $0xFFFFFDE0  }
0xba: {  	s24 =	simm.s32 @!p0 $0x18000;
	s22 =	simm.s32 @!p0 $0x22;
	[bflag:$0x0] =	sbarrier.arrive @!p0 $0xFFFF  }
0xbb: {  	[spmem:s1] =	stream.indirect.scatter.add.f32 @!p0 [tilespmem:s24], [sflag:$0x1], $0x80, s23, s22, $0xb8;
	[tilespmem:$0x19590] =	vst v63  }
0xbc: {  	p1 =	sne.s32 s21, s11;
	s22 =	simm.s32 @!p0 $0x1  }
.Ltmp3:
0xbd: {  	_ =	swait.ge @!p0 [sflag:s22], $0x1100;
	(pc) =	sbr.rel @p1 .LBB2_1-.Ltmp3, $3  }
0xbe: {  	[sflag:s22] =	ssyncset.done @!p0 $0x0  }
0xbf: {  	[sflag:s22] =	ssyncadd.s32 @!p0 $0xFFFFEF00  }
0xc0: {  	[bflag:$0x0] =	sbarrier.arrive @!p0 $0xFFFF;
	_ =	sdelay $0x1  }
0xc1: {  	_ =	sfence.sel $0x180000  }
0xc2: {  	[bflag:$0x0] =	sbarrier.arrive $0xFFFF  }
0xc3: {  	p0 =	sne.s32 s3, $0x0;
	_ =	strace $0x90000047  }
0xc4: {  	s0 =	sadd.s32 @!p0 $0x100000, s0;
	[bflag:$0x2] =	sbarrier.arrive $0xFFFF  }
0xc5: {  	[sflag:s0] =	ssyncadd.tile.s32 @!p0 $0x1;
	_ =	shalt  }
.Lfunc_end2:
_tile_overlayer_lowered:
.L_overlay_start_2:
0xc6: {  	(tag) =	ssettag $0x2  }
0xc7: {  	s0 =	rddreg [dreg:$0x0];
	s2 =	stileid.u32  }
0xc8: {  	s1 =	rddreg [dreg:$0x1];
	p0 =	sne.s32 s2, $0x0  }
0xc9: {  	s3 =	rddreg [dreg:$0x2];
	[bflag:$0x3] =	sbarrier.arrive $0xFFFF;
	s2 =	simm.s32 @!p0 $0x1C03  }
0xca: {  	[timem:s3], [sflag:s2] =	dma.local @!p0 [hbm:s0], s1  }
0xcb: {  	s0 =	simm.s32 @!p0 $0x3  }
0xcc: {  	_ =	swait.ge @!p0 [sflag:s0], s1  }
0xcd: {  	s1 =	ssub.s32 @!p0 $0x0, s1;
	[sflag:s0] =	ssyncset.done @!p0 $0x0  }
0xce: {  	[sflag:s0] =	ssyncadd.s32 @!p0 s1  }
0xcf: {  	[bflag:$0x3] =	sbarrier.arrive $0xFFFF  }
0xd0: {  	_ =	shalt  }

</sc_bundles>
